<compile_context>
chip_gen: v7x
topology: tpu7x:2x2x1
jax: 0.10.2.dev20260603
libtpu: 0.0.44.dev20260713+nightly
codegen_flags: <defaults>
</compile_context>

<pallas_src>
import functools

import jax
import jax.numpy as jnp
from jax import lax
from jax.experimental import pallas as pl
from jax.experimental.pallas import tpu as pltpu
from jax.experimental.pallas import tpu_sc as plsc

N = 1024
NUM_CLASSES = 5532
QS = NUM_CLASSES * 2
FEAT = 256
L = 16

CPT = 352
NMAP = 16 * CPT // L
NBLK = CPT // L
NLBL = N // L
W = 64

TAIL0 = N
TAILC = 624
TAILR = 10040 - 16 * TAILC


def _sc_body(labels_hbm, qlabel_hbm,
             lbl_v, map_v, out_v, zbuf_v, bcnt_s, sem):
    cid = lax.axis_index("c")
    sid = lax.axis_index("s")
    iota = lax.iota(jnp.int32, L)
    zf = jnp.zeros((L,), jnp.float32)
    zi = jnp.zeros((L,), jnp.int32)

    @pl.when(cid == 0)
    def _compute():
        @pl.loop(0, TAILC // L, unroll=4)
        def _zb(k):
            zbuf_v[pl.ds(k * L, L)] = zf

        tail_cp = pltpu.async_copy(
            zbuf_v.at[pl.ds(0, TAILC)],
            qlabel_hbm.at[pl.ds(TAIL0 + sid * TAILC, TAILC)], sem)
        pltpu.sync_copy(labels_hbm, lbl_v)
        @pl.loop(0, NMAP, unroll=4)
        def _zero_map(k):
            map_v[pl.ds(k * L, L)] = zi

        for k in range(W // L):
            out_v[pl.ds(k * L, L)] = zf
        one = zi + 1

        @pl.loop(0, NLBL, unroll=4)
        def _mark(j):
            lbl = lbl_v[pl.ds(j * L, L)]
            plsc.store_scatter(map_v, [lbl], one)

        @pl.loop(0, 16)
        def _blocks(g):
            @pl.loop(0, NBLK, unroll=2, init_carry=zi)
            def _acc(k, acc):
                return acc + map_v[pl.ds((g * NBLK + k) * L, L)]

            bcnt_s[g] = jnp.sum(_acc)

        lo_s = W * sid
        iota_f = iota.astype(jnp.float32)

        @pl.loop(0, 16, init_carry=jnp.int32(0))
        def _scan(g, carry_s):
            bs = bcnt_s[g]

            @pl.when((carry_s < lo_s + W) & (carry_s + bs > lo_s))
            def _compact():
                lo = zi + lo_s

                @pl.loop(0, NBLK, unroll=2, init_carry=zi + carry_s)
                def _inner(k, carry):
                    p = map_v[pl.ds((g * NBLK + k) * L, L)]
                    pres = p > 0
                    cs = plsc.cumsum(p)
                    gr = (cs - p) + carry
                    li = gr - lo
                    m = pres & (li >= 0) & (li < W)
                    lic = jnp.minimum(jnp.maximum(li, 0), W - 1)
                    clsf = iota_f + ((g * NBLK + k) * L).astype(jnp.float32)
                    plsc.store_scatter(out_v, [lic], clsf, mask=m)
                    return carry + plsc.all_reduce_population_count(pres)

            return carry_s + bs

        pltpu.sync_copy(out_v, qlabel_hbm.at[pl.ds(W * sid, W)])

        @pl.when(sid == 0)
        def _tail_rem():
            pltpu.sync_copy(zbuf_v.at[pl.ds(0, TAILR)],
                            qlabel_hbm.at[pl.ds(TAIL0 + 16 * TAILC, TAILR)])

        tail_cp.wait()


_sc_uniq = functools.partial(
    pl.kernel,
    mesh=plsc.VectorSubcoreMesh(core_axis_name="c", subcore_axis_name="s",
                                num_cores=1),
    compiler_params=pltpu.CompilerParams(needs_layout_passes=False),
    out_type=[jax.ShapeDtypeStruct((QS,), jnp.float32)],
    scratch_types=[
        pltpu.VMEM((N,), jnp.int32),
        pltpu.VMEM((16 * CPT,), jnp.int32),
        pltpu.VMEM((W,), jnp.float32),
        pltpu.VMEM((TAILC,), jnp.float32),
        pltpu.SMEM((16,), jnp.int32),
        pltpu.SemaphoreType.DMA,
    ],
)(_sc_body)


BR = 2048


def _queue_body(feat_ref, lrow_ref, out_ref):
    i = pl.program_id(0)

    @pl.when(i == 0)
    def _copy():
        lrow = lrow_ref[...]
        lcol = jnp.transpose(lrow)
        eq = (lcol == lrow)
        ri = lax.broadcasted_iota(jnp.int32, (N, N), 0)
        ci = lax.broadcasted_iota(jnp.int32, (N, N), 1)
        dup = jnp.any(eq & (ci < ri), axis=1, keepdims=True)
        u = jnp.sum(1 - dup.astype(jnp.int32))
        rowi = lax.broadcasted_iota(jnp.int32, (N, 1), 0)
        mask = (rowi < u).astype(jnp.float32)
        out_ref[pl.ds(0, N), :] = feat_ref[...] * mask
        out_ref[pl.ds(N, BR - N), :] = jnp.zeros((BR - N, FEAT), jnp.float32)

    @pl.when(i > 0)
    def _zero():
        out_ref[...] = jnp.zeros_like(out_ref)


def kernel(features, pid_labels):
    (qlabel,) = _sc_uniq(pid_labels)
    queue = pl.pallas_call(
        _queue_body,
        grid=(pl.cdiv(QS, BR),),
        in_specs=[pl.BlockSpec((N, FEAT), lambda i: (0, 0)),
                  pl.BlockSpec((1, N), lambda i: (0, 0))],
        out_specs=pl.BlockSpec((BR, FEAT), lambda i: (i, 0)),
        out_shape=jax.ShapeDtypeStruct((QS, FEAT), jnp.float32),
    )(features, pid_labels.reshape(1, N))
    return (queue, qlabel)

# --- scband reference (transcript-rebuilt; emitter-appended) ---
"""Pipeline reference for scband-large-batch-queue-67138928771106 (READ-ONLY COPY).

The authoritative reference and input builder live on the scoring server;
editing this copy changes nothing except your own understanding.
"""

import jax, jax.numpy as jnp
import numpy as np

NUM_CLASSES = 5532
NUM_INST = 2
SELECTION = 0.7
FEAT_LEN = 256
QUEUE_SIZE = NUM_CLASSES * NUM_INST
N = 1024


def setup_inputs(seed: int = 0):
    key = jax.random.key(seed)
    k1, k2 = jax.random.split(key)
    features = jax.random.normal(k1, (N, FEAT_LEN), dtype=jnp.float32)
    pid_labels = jax.random.randint(k2, (N,), 0, NUM_CLASSES, dtype=jnp.int32)
    return {"features": features, "pid_labels": pid_labels}


def reference(features, pid_labels):
    queue = jnp.zeros((QUEUE_SIZE, FEAT_LEN), dtype=jnp.float32)
    qlabel = jnp.zeros((QUEUE_SIZE,), dtype=jnp.float32)
    # Sorted unique labels, fixed size N, padded with -1 (labels are >= 0).
    # Since the unique count U <= N < QUEUE_SIZE, the queue never wraps and
    # judge stays 0, so the sequential writes reduce to: row i gets
    # features[i] and label unique[i] for each i < U.
    n = pid_labels.shape[0]
    uniq = jnp.unique(pid_labels, size=n, fill_value=-1)
    mask = uniq >= 0
    f = jax.lax.stop_gradient(features)
    queue = queue.at[:n].set(jnp.where(mask[:, None], f, 0.0))
    qlabel = qlabel.at[:n].set(jnp.where(mask, uniq.astype(jnp.float32), 0.0))
    return (queue, qlabel)

if __name__ == "__main__":
    import jax
    _d = setup_inputs()
    print(jax.jit(kernel)(*tuple(_d.values())))

</pallas_src>

<mosaic_0001>
#map = affine_map<(d0, d1) -> (0)>
module attributes {stable_mosaic.version = 14 : i64} {
  func.func @_sc_body(%arg0: i32, %arg1: i32, %arg2: memref<1024xi32, #tpu.memory_space<hbm>>, %arg3: memref<11064xf32, #tpu.memory_space<hbm>>, %arg4: memref<1024xi32, #tpu.memory_space<vmem>>, %arg5: memref<5632xi32, #tpu.memory_space<vmem>>, %arg6: memref<64xf32, #tpu.memory_space<vmem>>, %arg7: memref<624xf32, #tpu.memory_space<vmem>>, %arg8: memref<16xi32, #tpu.memory_space<smem>>, %arg9: memref<!tpu.dma_semaphore, #tpu.memory_space<semaphore_mem>>) attributes {dimension_semantics = [#tpu.dimension_semantics<core_parallel>, #tpu.dimension_semantics<subcore_parallel>], iteration_bounds = array<i64: 1, 16>, scalar_prefetch = 0 : i64, scratch_operands = 6 : i64, tpu.core_type = #tpu.core_type<sc_vector_subcore>, window_params = [{transform_indices = #map}, {transform_indices = #map}]} {
    %iota3A = tpu.iota {dimensions = array<i32: 0>} : vector<16xi32>
    %broadcast_in_dim3A = arith.constant 0.000000e+00 : f32
    %broadcast_in_dim3A_0 = vector.broadcast %broadcast_in_dim3A : f32 to vector<16xf32>
    %broadcast_in_dim3A_1 = arith.constant 0 : i32
    %broadcast_in_dim3A_2 = vector.broadcast %broadcast_in_dim3A_1 : i32 to vector<16xi32>
    %eq3A = arith.constant 0 : i32
    %eq3A_3 = arith.cmpi eq, %arg0, %eq3A : i32
    %convert_element_type3A = arith.extui %eq3A_3 : i1 to i32
    %cond3A = arith.constant 0 : i32
    %cond3A_4 = arith.cmpi ne, %convert_element_type3A, %cond3A : i32
    scf.if %cond3A_4 {
      %scan3A = arith.constant 0 : i32
      %scan3A_5 = arith.constant 36 : i32
      %scan3A_6 = arith.addi %scan3A, %scan3A_5 : i32
      %scan3A_7 = arith.constant 4 : i32
      scf.for %scan3A_93 = %scan3A to %scan3A_6 step %scan3A_7  : i32 {
        %mul3A_94 = arith.constant 1 : i32
        %mul3A_95 = arith.muli %scan3A_93, %mul3A_94 : i32
        %add3A_96 = arith.constant 0 : i32
        %add3A_97 = arith.addi %add3A_96, %mul3A_95 : i32
        %mul3A_98 = arith.constant 16 : i32
        %mul3A_99 = arith.muli %add3A_97, %mul3A_98 : i32
        %swap3A_100 = arith.index_cast %mul3A_99 : i32 to index
        %swap3A_101 = tpu.vector_load %arg7[%swap3A_100] {strides = array<i32>} : memref<624xf32, #tpu.memory_space<vmem>>, vector<16xf32>,
        tpu.vector_store %arg7[%swap3A_100], %broadcast_in_dim3A_0 {strides = array<i32>} : memref<624xf32, #tpu.memory_space<vmem>>, vector<16xf32>,
        %scan3A_102 = arith.constant 1 : i32
        %scan3A_103 = arith.addi %scan3A_93, %scan3A_102 : i32
        %mul3A_104 = arith.constant 1 : i32
        %mul3A_105 = arith.muli %scan3A_103, %mul3A_104 : i32
        %add3A_106 = arith.constant 0 : i32
        %add3A_107 = arith.addi %add3A_106, %mul3A_105 : i32
        %mul3A_108 = arith.constant 16 : i32
        %mul3A_109 = arith.muli %add3A_107, %mul3A_108 : i32
        %swap3A_110 = arith.index_cast %mul3A_109 : i32 to index
        %swap3A_111 = tpu.vector_load %arg7[%swap3A_110] {strides = array<i32>} : memref<624xf32, #tpu.memory_space<vmem>>, vector<16xf32>,
        tpu.vector_store %arg7[%swap3A_110], %broadcast_in_dim3A_0 {strides = array<i32>} : memref<624xf32, #tpu.memory_space<vmem>>, vector<16xf32>,
        %scan3A_112 = arith.constant 2 : i32
        %scan3A_113 = arith.addi %scan3A_93, %scan3A_112 : i32
        %mul3A_114 = arith.constant 1 : i32
        %mul3A_115 = arith.muli %scan3A_113, %mul3A_114 : i32
        %add3A_116 = arith.constant 0 : i32
        %add3A_117 = arith.addi %add3A_116, %mul3A_115 : i32
        %mul3A_118 = arith.constant 16 : i32
        %mul3A_119 = arith.muli %add3A_117, %mul3A_118 : i32
        %swap3A_120 = arith.index_cast %mul3A_119 : i32 to index
        %swap3A_121 = tpu.vector_load %arg7[%swap3A_120] {strides = array<i32>} : memref<624xf32, #tpu.memory_space<vmem>>, vector<16xf32>,
        tpu.vector_store %arg7[%swap3A_120], %broadcast_in_dim3A_0 {strides = array<i32>} : memref<624xf32, #tpu.memory_space<vmem>>, vector<16xf32>,
        %scan3A_122 = arith.constant 3 : i32
        %scan3A_123 = arith.addi %scan3A_93, %scan3A_122 : i32
        %mul3A_124 = arith.constant 1 : i32
        %mul3A_125 = arith.muli %scan3A_123, %mul3A_124 : i32
        %add3A_126 = arith.constant 0 : i32
        %add3A_127 = arith.addi %add3A_126, %mul3A_125 : i32
        %mul3A_128 = arith.constant 16 : i32
        %mul3A_129 = arith.muli %add3A_127, %mul3A_128 : i32
        %swap3A_130 = arith.index_cast %mul3A_129 : i32 to index
        %swap3A_131 = tpu.vector_load %arg7[%swap3A_130] {strides = array<i32>} : memref<624xf32, #tpu.memory_space<vmem>>, vector<16xf32>,
        tpu.vector_store %arg7[%swap3A_130], %broadcast_in_dim3A_0 {strides = array<i32>} : memref<624xf32, #tpu.memory_space<vmem>>, vector<16xf32>,
      }
      %scan3A_8 = arith.constant 36 : i32
      %scan3A_9 = arith.addi %scan3A, %scan3A_8 : i32
      %mul3A = arith.constant 1 : i32
      %mul3A_10 = arith.muli %scan3A_9, %mul3A : i32
      %add3A = arith.constant 0 : i32
      %add3A_11 = arith.addi %add3A, %mul3A_10 : i32
      %mul3A_12 = arith.constant 16 : i32
      %mul3A_13 = arith.muli %add3A_11, %mul3A_12 : i32
      %swap3A = arith.index_cast %mul3A_13 : i32 to index
      %swap3A_14 = tpu.vector_load %arg7[%swap3A] {strides = array<i32>} : memref<624xf32, #tpu.memory_space<vmem>>, vector<16xf32>,
      tpu.vector_store %arg7[%swap3A], %broadcast_in_dim3A_0 {strides = array<i32>} : memref<624xf32, #tpu.memory_space<vmem>>, vector<16xf32>,
      %scan3A_15 = arith.constant 37 : i32
      %scan3A_16 = arith.addi %scan3A, %scan3A_15 : i32
      %mul3A_17 = arith.constant 1 : i32
      %mul3A_18 = arith.muli %scan3A_16, %mul3A_17 : i32
      %add3A_19 = arith.constant 0 : i32
      %add3A_20 = arith.addi %add3A_19, %mul3A_18 : i32
      %mul3A_21 = arith.constant 16 : i32
      %mul3A_22 = arith.muli %add3A_20, %mul3A_21 : i32
      %swap3A_23 = arith.index_cast %mul3A_22 : i32 to index
      %swap3A_24 = tpu.vector_load %arg7[%swap3A_23] {strides = array<i32>} : memref<624xf32, #tpu.memory_space<vmem>>, vector<16xf32>,
      tpu.vector_store %arg7[%swap3A_23], %broadcast_in_dim3A_0 {strides = array<i32>} : memref<624xf32, #tpu.memory_space<vmem>>, vector<16xf32>,
      %scan3A_25 = arith.constant 38 : i32
      %scan3A_26 = arith.addi %scan3A, %scan3A_25 : i32
      %mul3A_27 = arith.constant 1 : i32
      %mul3A_28 = arith.muli %scan3A_26, %mul3A_27 : i32
      %add3A_29 = arith.constant 0 : i32
      %add3A_30 = arith.addi %add3A_29, %mul3A_28 : i32
      %mul3A_31 = arith.constant 16 : i32
      %mul3A_32 = arith.muli %add3A_30, %mul3A_31 : i32
      %swap3A_33 = arith.index_cast %mul3A_32 : i32 to index
      %swap3A_34 = tpu.vector_load %arg7[%swap3A_33] {strides = array<i32>} : memref<624xf32, #tpu.memory_space<vmem>>, vector<16xf32>,
      tpu.vector_store %arg7[%swap3A_33], %broadcast_in_dim3A_0 {strides = array<i32>} : memref<624xf32, #tpu.memory_space<vmem>>, vector<16xf32>,
      %scan3A_35 = arith.constant 39 : i32
      %mul3A_36 = arith.constant 624 : i32
      %mul3A_37 = arith.muli %arg1, %mul3A_36 : i32
      %add3A_38 = arith.constant 1024 : i32
      %add3A_39 = arith.addi %add3A_38, %mul3A_37 : i32
      %dma_start3A = arith.constant 0 : i32
      %dma_start3A_40 = tpu.memref_slice %arg7[%dma_start3A] : memref<624xf32, #tpu.memory_space<vmem>> -> memref<624xf32, #tpu.memory_space<vmem>>
      %dma_start3A_41 = tpu.memref_slice %arg3[%add3A_39] : memref<11064xf32, #tpu.memory_space<hbm>> -> memref<624xf32, #tpu.memory_space<hbm>>
      %dma_start3A_42 = tpu.memref_slice %arg3[%add3A_39] : memref<11064xf32, #tpu.memory_space<hbm>> -> memref<624xf32, #tpu.memory_space<hbm>>
      %dma_start3A_43 = arith.constant 0 : i32
      %dma_start3A_44 = tpu.memref_slice %arg7[%dma_start3A_43] : memref<624xf32, #tpu.memory_space<vmem>> -> memref<624xf32, #tpu.memory_space<vmem>>
      tpu.enqueue_dma source(%dma_start3A_44 : memref<624xf32, #tpu.memory_space<vmem>>) target(%dma_start3A_42 : memref<624xf32, #tpu.memory_space<hbm>>) target_semaphore(%arg9 : memref<!tpu.dma_semaphore, #tpu.memory_space<semaphore_mem>>)
      "tpu.region"() ({
        %run_scoped3A = tpu.sem_alloc : memref<!tpu.dma_semaphore, #tpu.memory_space<semaphore_mem>>
        tpu.enqueue_dma source(%arg2 : memref<1024xi32, #tpu.memory_space<hbm>>) target(%arg4 : memref<1024xi32, #tpu.memory_space<vmem>>) target_semaphore(%run_scoped3A : memref<!tpu.dma_semaphore, #tpu.memory_space<semaphore_mem>>)
        tpu.wait_dma2 semaphore(%run_scoped3A : memref<!tpu.dma_semaphore, #tpu.memory_space<semaphore_mem>>) src(%arg2 : memref<1024xi32, #tpu.memory_space<hbm>>) dst(%arg4 : memref<1024xi32, #tpu.memory_space<vmem>>)
        tpu.yield
      }) : () -> ()
      %scan3A_45 = arith.constant 0 : i32
      %scan3A_46 = arith.constant 352 : i32
      %scan3A_47 = arith.addi %scan3A_45, %scan3A_46 : i32
      %scan3A_48 = arith.constant 4 : i32
      scf.for %scan3A_93 = %scan3A_45 to %scan3A_47 step %scan3A_48  : i32 {
        %mul3A_94 = arith.constant 1 : i32
        %mul3A_95 = arith.muli %scan3A_93, %mul3A_94 : i32
        %add3A_96 = arith.constant 0 : i32
        %add3A_97 = arith.addi %add3A_96, %mul3A_95 : i32
        %mul3A_98 = arith.constant 16 : i32
        %mul3A_99 = arith.muli %add3A_97, %mul3A_98 : i32
        %swap3A_100 = arith.index_cast %mul3A_99 : i32 to index
        %swap3A_101 = tpu.vector_load %arg5[%swap3A_100] {strides = array<i32>} : memref<5632xi32, #tpu.memory_space<vmem>>, vector<16xi32>,
        tpu.vector_store %arg5[%swap3A_100], %broadcast_in_dim3A_2 {strides = array<i32>} : memref<5632xi32, #tpu.memory_space<vmem>>, vector<16xi32>,
        %scan3A_102 = arith.constant 1 : i32
        %scan3A_103 = arith.addi %scan3A_93, %scan3A_102 : i32
        %mul3A_104 = arith.constant 1 : i32
        %mul3A_105 = arith.muli %scan3A_103, %mul3A_104 : i32
        %add3A_106 = arith.constant 0 : i32
        %add3A_107 = arith.addi %add3A_106, %mul3A_105 : i32
        %mul3A_108 = arith.constant 16 : i32
        %mul3A_109 = arith.muli %add3A_107, %mul3A_108 : i32
        %swap3A_110 = arith.index_cast %mul3A_109 : i32 to index
        %swap3A_111 = tpu.vector_load %arg5[%swap3A_110] {strides = array<i32>} : memref<5632xi32, #tpu.memory_space<vmem>>, vector<16xi32>,
        tpu.vector_store %arg5[%swap3A_110], %broadcast_in_dim3A_2 {strides = array<i32>} : memref<5632xi32, #tpu.memory_space<vmem>>, vector<16xi32>,
        %scan3A_112 = arith.constant 2 : i32
        %scan3A_113 = arith.addi %scan3A_93, %scan3A_112 : i32
        %mul3A_114 = arith.constant 1 : i32
        %mul3A_115 = arith.muli %scan3A_113, %mul3A_114 : i32
        %add3A_116 = arith.constant 0 : i32
        %add3A_117 = arith.addi %add3A_116, %mul3A_115 : i32
        %mul3A_118 = arith.constant 16 : i32
        %mul3A_119 = arith.muli %add3A_117, %mul3A_118 : i32
        %swap3A_120 = arith.index_cast %mul3A_119 : i32 to index
        %swap3A_121 = tpu.vector_load %arg5[%swap3A_120] {strides = array<i32>} : memref<5632xi32, #tpu.memory_space<vmem>>, vector<16xi32>,
        tpu.vector_store %arg5[%swap3A_120], %broadcast_in_dim3A_2 {strides = array<i32>} : memref<5632xi32, #tpu.memory_space<vmem>>, vector<16xi32>,
        %scan3A_122 = arith.constant 3 : i32
        %scan3A_123 = arith.addi %scan3A_93, %scan3A_122 : i32
        %mul3A_124 = arith.constant 1 : i32
        %mul3A_125 = arith.muli %scan3A_123, %mul3A_124 : i32
        %add3A_126 = arith.constant 0 : i32
        %add3A_127 = arith.addi %add3A_126, %mul3A_125 : i32
        %mul3A_128 = arith.constant 16 : i32
        %mul3A_129 = arith.muli %add3A_127, %mul3A_128 : i32
        %swap3A_130 = arith.index_cast %mul3A_129 : i32 to index
        %swap3A_131 = tpu.vector_load %arg5[%swap3A_130] {strides = array<i32>} : memref<5632xi32, #tpu.memory_space<vmem>>, vector<16xi32>,
        tpu.vector_store %arg5[%swap3A_130], %broadcast_in_dim3A_2 {strides = array<i32>} : memref<5632xi32, #tpu.memory_space<vmem>>, vector<16xi32>,
      }
      %scan3A_49 = arith.constant 352 : i32
      %swap3A_50 = arith.constant 0 : index
      %swap3A_51 = tpu.vector_load %arg6[%swap3A_50] {strides = array<i32>} : memref<64xf32, #tpu.memory_space<vmem>>, vector<16xf32>,
      tpu.vector_store %arg6[%swap3A_50], %broadcast_in_dim3A_0 {strides = array<i32>} : memref<64xf32, #tpu.memory_space<vmem>>, vector<16xf32>,
      %swap3A_52 = arith.constant 16 : index
      %swap3A_53 = tpu.vector_load %arg6[%swap3A_52] {strides = array<i32>} : memref<64xf32, #tpu.memory_space<vmem>>, vector<16xf32>,
      tpu.vector_store %arg6[%swap3A_52], %broadcast_in_dim3A_0 {strides = array<i32>} : memref<64xf32, #tpu.memory_space<vmem>>, vector<16xf32>,
      %swap3A_54 = arith.constant 32 : index
      %swap3A_55 = tpu.vector_load %arg6[%swap3A_54] {strides = array<i32>} : memref<64xf32, #tpu.memory_space<vmem>>, vector<16xf32>,
      tpu.vector_store %arg6[%swap3A_54], %broadcast_in_dim3A_0 {strides = array<i32>} : memref<64xf32, #tpu.memory_space<vmem>>, vector<16xf32>,
      %swap3A_56 = arith.constant 48 : index
      %swap3A_57 = tpu.vector_load %arg6[%swap3A_56] {strides = array<i32>} : memref<64xf32, #tpu.memory_space<vmem>>, vector<16xf32>,
      tpu.vector_store %arg6[%swap3A_56], %broadcast_in_dim3A_0 {strides = array<i32>} : memref<64xf32, #tpu.memory_space<vmem>>, vector<16xf32>,
      %add3A_58 = arith.constant 1 : i32
      %add3A_59 = vector.broadcast %add3A_58 : i32 to vector<16xi32>
      %add3A_60 = arith.addi %broadcast_in_dim3A_2, %add3A_59 : vector<16xi32>
      %scan3A_61 = arith.constant 0 : i32
      %scan3A_62 = arith.constant 64 : i32
      %scan3A_63 = arith.addi %scan3A_61, %scan3A_62 : i32
      %scan3A_64 = arith.constant 4 : i32
      scf.for %scan3A_93 = %scan3A_61 to %scan3A_63 step %scan3A_64  : i32 {
        %mul3A_94 = arith.constant 1 : i32
        %mul3A_95 = arith.muli %scan3A_93, %mul3A_94 : i32
        %add3A_96 = arith.constant 0 : i32
        %add3A_97 = arith.addi %add3A_96, %mul3A_95 : i32
        %mul3A_98 = arith.constant 16 : i32
        %mul3A_99 = arith.muli %add3A_97, %mul3A_98 : i32
        %get3A = arith.index_cast %mul3A_99 : i32 to index
        %get3A_100 = tpu.vector_load %arg4[%get3A] {strides = array<i32>} : memref<1024xi32, #tpu.memory_space<vmem>>, vector<16xi32>,
        tpu.vector_store_idx %arg5[%get3A_100], %add3A_60 : memref<5632xi32, #tpu.memory_space<vmem>>[vector<16xi32>], vector<16xi32>,
        %scan3A_101 = arith.constant 1 : i32
        %scan3A_102 = arith.addi %scan3A_93, %scan3A_101 : i32
        %mul3A_103 = arith.constant 1 : i32
        %mul3A_104 = arith.muli %scan3A_102, %mul3A_103 : i32
        %add3A_105 = arith.constant 0 : i32
        %add3A_106 = arith.addi %add3A_105, %mul3A_104 : i32
        %mul3A_107 = arith.constant 16 : i32
        %mul3A_108 = arith.muli %add3A_106, %mul3A_107 : i32
        %get3A_109 = arith.index_cast %mul3A_108 : i32 to index
        %get3A_110 = tpu.vector_load %arg4[%get3A_109] {strides = array<i32>} : memref<1024xi32, #tpu.memory_space<vmem>>, vector<16xi32>,
        tpu.vector_store_idx %arg5[%get3A_110], %add3A_60 : memref<5632xi32, #tpu.memory_space<vmem>>[vector<16xi32>], vector<16xi32>,
        %scan3A_111 = arith.constant 2 : i32
        %scan3A_112 = arith.addi %scan3A_93, %scan3A_111 : i32
        %mul3A_113 = arith.constant 1 : i32
        %mul3A_114 = arith.muli %scan3A_112, %mul3A_113 : i32
        %add3A_115 = arith.constant 0 : i32
        %add3A_116 = arith.addi %add3A_115, %mul3A_114 : i32
        %mul3A_117 = arith.constant 16 : i32
        %mul3A_118 = arith.muli %add3A_116, %mul3A_117 : i32
        %get3A_119 = arith.index_cast %mul3A_118 : i32 to index
        %get3A_120 = tpu.vector_load %arg4[%get3A_119] {strides = array<i32>} : memref<1024xi32, #tpu.memory_space<vmem>>, vector<16xi32>,
        tpu.vector_store_idx %arg5[%get3A_120], %add3A_60 : memref<5632xi32, #tpu.memory_space<vmem>>[vector<16xi32>], vector<16xi32>,
        %scan3A_121 = arith.constant 3 : i32
        %scan3A_122 = arith.addi %scan3A_93, %scan3A_121 : i32
        %mul3A_123 = arith.constant 1 : i32
        %mul3A_124 = arith.muli %scan3A_122, %mul3A_123 : i32
        %add3A_125 = arith.constant 0 : i32
        %add3A_126 = arith.addi %add3A_125, %mul3A_124 : i32
        %mul3A_127 = arith.constant 16 : i32
        %mul3A_128 = arith.muli %add3A_126, %mul3A_127 : i32
        %get3A_129 = arith.index_cast %mul3A_128 : i32 to index
        %get3A_130 = tpu.vector_load %arg4[%get3A_129] {strides = array<i32>} : memref<1024xi32, #tpu.memory_space<vmem>>, vector<16xi32>,
        tpu.vector_store_idx %arg5[%get3A_130], %add3A_60 : memref<5632xi32, #tpu.memory_space<vmem>>[vector<16xi32>], vector<16xi32>,
      }
      %scan3A_65 = arith.constant 64 : i32
      %scan3A_66 = arith.constant 0 : i32
      %scan3A_67 = arith.constant 16 : i32
      %scan3A_68 = arith.addi %scan3A_66, %scan3A_67 : i32
      %scan3A_69 = arith.constant 1 : i32
      scf.for %scan3A_93 = %scan3A_66 to %scan3A_68 step %scan3A_69  : i32 {
        %mul3A_94 = arith.constant 1 : i32
        %mul3A_95 = arith.muli %scan3A_93, %mul3A_94 : i32
        %add3A_96 = arith.constant 0 : i32
        %add3A_97 = arith.addi %add3A_96, %mul3A_95 : i32
        %scan3A_98 = arith.constant 0 : i32
        %scan3A_99 = arith.constant 22 : i32
        %scan3A_100 = arith.addi %scan3A_98, %scan3A_99 : i32
        %scan3A_101 = arith.constant 2 : i32
        %scan3A_102 = scf.for %scan3A_109 = %scan3A_98 to %scan3A_100 step %scan3A_101 iter_args(%scan3A_110 = %broadcast_in_dim3A_2) -> (vector<16xi32>)  : i32 {
          %mul3A_111 = arith.constant 1 : i32
          %mul3A_112 = arith.muli %scan3A_109, %mul3A_111 : i32
          %add3A_113 = arith.constant 0 : i32
          %add3A_114 = arith.addi %add3A_113, %mul3A_112 : i32
          %mul3A_115 = arith.constant 22 : i32
          %mul3A_116 = arith.muli %add3A_97, %mul3A_115 : i32
          %add3A_117 = arith.addi %mul3A_116, %add3A_114 : i32
          %mul3A_118 = arith.constant 16 : i32
          %mul3A_119 = arith.muli %add3A_117, %mul3A_118 : i32
          %get3A = arith.index_cast %mul3A_119 : i32 to index
          %get3A_120 = tpu.vector_load %arg5[%get3A] {strides = array<i32>} : memref<5632xi32, #tpu.memory_space<vmem>>, vector<16xi32>,
          %add3A_121 = arith.addi %scan3A_110, %get3A_120 : vector<16xi32>
          %scan3A_122 = arith.constant 1 : i32
          %scan3A_123 = arith.addi %scan3A_109, %scan3A_122 : i32
          %mul3A_124 = arith.constant 1 : i32
          %mul3A_125 = arith.muli %scan3A_123, %mul3A_124 : i32
          %add3A_126 = arith.constant 0 : i32
          %add3A_127 = arith.addi %add3A_126, %mul3A_125 : i32
          %mul3A_128 = arith.constant 22 : i32
          %mul3A_129 = arith.muli %add3A_97, %mul3A_128 : i32
          %add3A_130 = arith.addi %mul3A_129, %add3A_127 : i32
          %mul3A_131 = arith.constant 16 : i32
          %mul3A_132 = arith.muli %add3A_130, %mul3A_131 : i32
          %get3A_133 = arith.index_cast %mul3A_132 : i32 to index
          %get3A_134 = tpu.vector_load %arg5[%get3A_133] {strides = array<i32>} : memref<5632xi32, #tpu.memory_space<vmem>>, vector<16xi32>,
          %add3A_135 = arith.addi %add3A_121, %get3A_134 : vector<16xi32>
          scf.yield %add3A_135 : vector<16xi32>
        }
        %scan3A_103 = arith.constant 22 : i32
        %reduce_sum3A = arith.constant true
        %reduce_sum3A_104 = vector.broadcast %reduce_sum3A : i1 to vector<16xi1>
        %reduce_sum3A_105 = tpu.scan <sum>, %scan3A_102 masked %reduce_sum3A_104 : vector<16xi32>, vector<16xi1> -> vector<16xi32>
        %reduce_sum3A_106 = vector.extract %reduce_sum3A_105[15] : i32 from vector<16xi32>
        %swap3A_107 = arith.index_cast %add3A_97 : i32 to index
        %swap3A_108 = memref.load %arg8[%swap3A_107] : memref<16xi32, #tpu.memory_space<smem>>
        memref.store %reduce_sum3A_106, %arg8[%swap3A_107] : memref<16xi32, #tpu.memory_space<smem>>
      }
      %scan3A_70 = arith.constant 16 : i32
      %mul3A_71 = arith.constant 64 : i32
      %mul3A_72 = arith.muli %mul3A_71, %arg1 : i32
      %convert_element_type3A_73 = arith.sitofp %iota3A : vector<16xi32> to vector<16xf32>
      %scan3A_74 = arith.constant 0 : i32
      %scan3A_75 = arith.constant 0 : i32
      %scan3A_76 = arith.constant 16 : i32
      %scan3A_77 = arith.addi %scan3A_75, %scan3A_76 : i32
      %scan3A_78 = arith.constant 1 : i32
      %scan3A_79 = scf.for %scan3A_93 = %scan3A_75 to %scan3A_77 step %scan3A_78 iter_args(%scan3A_94 = %scan3A_74) -> (i32)  : i32 {
        %mul3A_95 = arith.constant 1 : i32
        %mul3A_96 = arith.muli %scan3A_93, %mul3A_95 : i32
        %add3A_97 = arith.constant 0 : i32
        %add3A_98 = arith.addi %add3A_97, %mul3A_96 : i32
        %get3A = arith.index_cast %add3A_98 : i32 to index
        %get3A_99 = memref.load %arg8[%get3A] : memref<16xi32, #tpu.memory_space<smem>>
        %add3A_100 = arith.constant 64 : i32
        %add3A_101 = arith.addi %mul3A_72, %add3A_100 : i32
        %lt3A = arith.cmpi slt, %scan3A_94, %add3A_101 : i32
        %add3A_102 = arith.addi %scan3A_94, %get3A_99 : i32
        %gt3A = arith.cmpi sgt, %add3A_102, %mul3A_72 : i32
        %and3A = arith.andi %lt3A, %gt3A : i1
        %convert_element_type3A_103 = arith.extui %and3A : i1 to i32
        %cond3A_104 = arith.constant 0 : i32
        %cond3A_105 = arith.cmpi ne, %convert_element_type3A_103, %cond3A_104 : i32
        scf.if %cond3A_105 {
          %add3A_107 = vector.broadcast %mul3A_72 : i32 to vector<16xi32>
          %add3A_108 = arith.addi %broadcast_in_dim3A_2, %add3A_107 : vector<16xi32>
          %add3A_109 = vector.broadcast %scan3A_94 : i32 to vector<16xi32>
          %add3A_110 = arith.addi %broadcast_in_dim3A_2, %add3A_109 : vector<16xi32>
          %scan3A_111 = arith.constant 0 : i32
          %scan3A_112 = arith.constant 22 : i32
          %scan3A_113 = arith.addi %scan3A_111, %scan3A_112 : i32
          %scan3A_114 = arith.constant 2 : i32
          %scan3A_115 = scf.for %scan3A_117 = %scan3A_111 to %scan3A_113 step %scan3A_114 iter_args(%scan3A_118 = %add3A_110) -> (vector<16xi32>)  : i32 {
            %mul3A_119 = arith.constant 1 : i32
            %mul3A_120 = arith.muli %scan3A_117, %mul3A_119 : i32
            %add3A_121 = arith.constant 0 : i32
            %add3A_122 = arith.addi %add3A_121, %mul3A_120 : i32
            %mul3A_123 = arith.constant 22 : i32
            %mul3A_124 = arith.muli %add3A_98, %mul3A_123 : i32
            %add3A_125 = arith.addi %mul3A_124, %add3A_122 : i32
            %mul3A_126 = arith.constant 16 : i32
            %mul3A_127 = arith.muli %add3A_125, %mul3A_126 : i32
            %get3A_128 = arith.index_cast %mul3A_127 : i32 to index
            %get3A_129 = tpu.vector_load %arg5[%get3A_128] {strides = array<i32>} : memref<5632xi32, #tpu.memory_space<vmem>>, vector<16xi32>,
            %gt3A_130 = arith.constant 0 : i32
            %gt3A_131 = vector.broadcast %gt3A_130 : i32 to vector<16xi32>
            %gt3A_132 = arith.cmpi sgt, %get3A_129, %gt3A_131 : vector<16xi32>
            %broadcast_in_dim3A_133 = arith.constant true
            %broadcast_in_dim3A_134 = vector.broadcast %broadcast_in_dim3A_133 : i1 to vector<16xi1>
            %masked_cumsum3A = tpu.scan <sum>, %get3A_129 masked %broadcast_in_dim3A_134 : vector<16xi32>, vector<16xi1> -> vector<16xi32>
            %sub3A = arith.subi %masked_cumsum3A, %get3A_129 : vector<16xi32>
            %add3A_135 = arith.addi %sub3A, %scan3A_118 : vector<16xi32>
            %sub3A_136 = arith.subi %add3A_135, %add3A_108 : vector<16xi32>
            %ge3A = arith.constant 0 : i32
            %ge3A_137 = vector.broadcast %ge3A : i32 to vector<16xi32>
            %ge3A_138 = arith.cmpi sge, %sub3A_136, %ge3A_137 : vector<16xi32>
            %and3A_139 = arith.andi %gt3A_132, %ge3A_138 : vector<16xi1>
            %lt3A_140 = arith.constant 64 : i32
            %lt3A_141 = vector.broadcast %lt3A_140 : i32 to vector<16xi32>
            %lt3A_142 = arith.cmpi slt, %sub3A_136, %lt3A_141 : vector<16xi32>
            %and3A_143 = arith.andi %and3A_139, %lt3A_142 : vector<16xi1>
            %max3A = arith.constant 0 : i32
            %max3A_144 = vector.broadcast %max3A : i32 to vector<16xi32>
            %max3A_145 = arith.maxsi %sub3A_136, %max3A_144 : vector<16xi32>
            %min3A = arith.constant 63 : i32
            %min3A_146 = vector.broadcast %min3A : i32 to vector<16xi32>
            %min3A_147 = arith.minsi %max3A_145, %min3A_146 : vector<16xi32>
            %mul3A_148 = arith.constant 22 : i32
            %mul3A_149 = arith.muli %add3A_98, %mul3A_148 : i32
            %add3A_150 = arith.addi %mul3A_149, %add3A_122 : i32
            %mul3A_151 = arith.constant 16 : i32
            %mul3A_152 = arith.muli %add3A_150, %mul3A_151 : i32
            %convert_element_type3A_153 = arith.sitofp %mul3A_152 : i32 to f32
            %add3A_154 = vector.broadcast %convert_element_type3A_153 : f32 to vector<16xf32>
            %add3A_155 = arith.addf %convert_element_type3A_73, %add3A_154 : vector<16xf32>
            tpu.vector_store_idx %arg6[%min3A_147], %add3A_155 masked %and3A_143 : memref<64xf32, #tpu.memory_space<vmem>>[vector<16xi32>], vector<16xf32>, vector<16xi1>
            %all_reduce_population_count3A = tpu.all_reduce %gt3A_132 {dim = 0 : i64, kind = #tpu.reduction_kind<sum>} : vector<16xi1> -> vector<16xi32>
            %add3A_156 = arith.addi %scan3A_118, %all_reduce_population_count3A : vector<16xi32>
            %scan3A_157 = arith.constant 1 : i32
            %scan3A_158 = arith.addi %scan3A_117, %scan3A_157 : i32
            %mul3A_159 = arith.constant 1 : i32
            %mul3A_160 = arith.muli %scan3A_158, %mul3A_159 : i32
            %add3A_161 = arith.constant 0 : i32
            %add3A_162 = arith.addi %add3A_161, %mul3A_160 : i32
            %mul3A_163 = arith.constant 22 : i32
            %mul3A_164 = arith.muli %add3A_98, %mul3A_163 : i32
            %add3A_165 = arith.addi %mul3A_164, %add3A_162 : i32
            %mul3A_166 = arith.constant 16 : i32
            %mul3A_167 = arith.muli %add3A_165, %mul3A_166 : i32
            %get3A_168 = arith.index_cast %mul3A_167 : i32 to index
            %get3A_169 = tpu.vector_load %arg5[%get3A_168] {strides = array<i32>} : memref<5632xi32, #tpu.memory_space<vmem>>, vector<16xi32>,
            %gt3A_170 = arith.constant 0 : i32
            %gt3A_171 = vector.broadcast %gt3A_170 : i32 to vector<16xi32>
            %gt3A_172 = arith.cmpi sgt, %get3A_169, %gt3A_171 : vector<16xi32>
            %broadcast_in_dim3A_173 = arith.constant true
            %broadcast_in_dim3A_174 = vector.broadcast %broadcast_in_dim3A_173 : i1 to vector<16xi1>
            %masked_cumsum3A_175 = tpu.scan <sum>, %get3A_169 masked %broadcast_in_dim3A_174 : vector<16xi32>, vector<16xi1> -> vector<16xi32>
            %sub3A_176 = arith.subi %masked_cumsum3A_175, %get3A_169 : vector<16xi32>
            %add3A_177 = arith.addi %sub3A_176, %add3A_156 : vector<16xi32>
            %sub3A_178 = arith.subi %add3A_177, %add3A_108 : vector<16xi32>
            %ge3A_179 = arith.constant 0 : i32
            %ge3A_180 = vector.broadcast %ge3A_179 : i32 to vector<16xi32>
            %ge3A_181 = arith.cmpi sge, %sub3A_178, %ge3A_180 : vector<16xi32>
            %and3A_182 = arith.andi %gt3A_172, %ge3A_181 : vector<16xi1>
            %lt3A_183 = arith.constant 64 : i32
            %lt3A_184 = vector.broadcast %lt3A_183 : i32 to vector<16xi32>
            %lt3A_185 = arith.cmpi slt, %sub3A_178, %lt3A_184 : vector<16xi32>
            %and3A_186 = arith.andi %and3A_182, %lt3A_185 : vector<16xi1>
            %max3A_187 = arith.constant 0 : i32
            %max3A_188 = vector.broadcast %max3A_187 : i32 to vector<16xi32>
            %max3A_189 = arith.maxsi %sub3A_178, %max3A_188 : vector<16xi32>
            %min3A_190 = arith.constant 63 : i32
            %min3A_191 = vector.broadcast %min3A_190 : i32 to vector<16xi32>
            %min3A_192 = arith.minsi %max3A_189, %min3A_191 : vector<16xi32>
            %mul3A_193 = arith.constant 22 : i32
            %mul3A_194 = arith.muli %add3A_98, %mul3A_193 : i32
            %add3A_195 = arith.addi %mul3A_194, %add3A_162 : i32
            %mul3A_196 = arith.constant 16 : i32
            %mul3A_197 = arith.muli %add3A_195, %mul3A_196 : i32
            %convert_element_type3A_198 = arith.sitofp %mul3A_197 : i32 to f32
            %add3A_199 = vector.broadcast %convert_element_type3A_198 : f32 to vector<16xf32>
            %add3A_200 = arith.addf %convert_element_type3A_73, %add3A_199 : vector<16xf32>
            tpu.vector_store_idx %arg6[%min3A_192], %add3A_200 masked %and3A_186 : memref<64xf32, #tpu.memory_space<vmem>>[vector<16xi32>], vector<16xf32>, vector<16xi1>
            %all_reduce_population_count3A_201 = tpu.all_reduce %gt3A_172 {dim = 0 : i64, kind = #tpu.reduction_kind<sum>} : vector<16xi1> -> vector<16xi32>
            %add3A_202 = arith.addi %add3A_156, %all_reduce_population_count3A_201 : vector<16xi32>
            scf.yield %add3A_202 : vector<16xi32>
          }
          %scan3A_116 = arith.constant 22 : i32
        } else {
        }
        %add3A_106 = arith.addi %scan3A_94, %get3A_99 : i32
        scf.yield %add3A_106 : i32
      }
      %scan3A_80 = arith.constant 16 : i32
      %mul3A_81 = arith.constant 64 : i32
      %mul3A_82 = arith.muli %mul3A_81, %arg1 : i32
      "tpu.region"() ({
        %run_scoped3A = tpu.sem_alloc : memref<!tpu.dma_semaphore, #tpu.memory_space<semaphore_mem>>
        %dma_start3A_93 = tpu.memref_slice %arg3[%mul3A_82] : memref<11064xf32, #tpu.memory_space<hbm>> -> memref<64xf32, #tpu.memory_space<hbm>>
        %dma_start3A_94 = tpu.memref_slice %arg3[%mul3A_82] : memref<11064xf32, #tpu.memory_space<hbm>> -> memref<64xf32, #tpu.memory_space<hbm>>
        tpu.enqueue_dma source(%arg6 : memref<64xf32, #tpu.memory_space<vmem>>) target(%dma_start3A_94 : memref<64xf32, #tpu.memory_space<hbm>>) target_semaphore(%run_scoped3A : memref<!tpu.dma_semaphore, #tpu.memory_space<semaphore_mem>>)
        %dma_wait3A_95 = tpu.memref_slice %arg3[%mul3A_82] : memref<11064xf32, #tpu.memory_space<hbm>> -> memref<64xf32, #tpu.memory_space<hbm>>
        %dma_wait3A_96 = tpu.memref_slice %arg3[%mul3A_82] : memref<11064xf32, #tpu.memory_space<hbm>> -> memref<64xf32, #tpu.memory_space<hbm>>
        tpu.wait_dma2 semaphore(%run_scoped3A : memref<!tpu.dma_semaphore, #tpu.memory_space<semaphore_mem>>) src(%arg6 : memref<64xf32, #tpu.memory_space<vmem>>) dst(%dma_wait3A_96 : memref<64xf32, #tpu.memory_space<hbm>>)
        tpu.yield
      }) : () -> ()
      %eq3A_83 = arith.constant 0 : i32
      %eq3A_84 = arith.cmpi eq, %arg1, %eq3A_83 : i32
      %convert_element_type3A_85 = arith.extui %eq3A_84 : i1 to i32
      %cond3A_86 = arith.constant 0 : i32
      %cond3A_87 = arith.cmpi ne, %convert_element_type3A_85, %cond3A_86 : i32
      scf.if %cond3A_87 {
        "tpu.region"() ({
          %run_scoped3A = tpu.sem_alloc : memref<!tpu.dma_semaphore, #tpu.memory_space<semaphore_mem>>
          %dma_start3A_93 = arith.constant 0 : i32
          %dma_start3A_94 = tpu.memref_slice %arg7[%dma_start3A_93] : memref<624xf32, #tpu.memory_space<vmem>> -> memref<56xf32, #tpu.memory_space<vmem>>
          %dma_start3A_95 = arith.constant 11008 : i32
          %dma_start3A_96 = tpu.memref_slice %arg3[%dma_start3A_95] : memref<11064xf32, #tpu.memory_space<hbm>> -> memref<56xf32, #tpu.memory_space<hbm>>
          %dma_start3A_97 = arith.constant 11008 : i32
          %dma_start3A_98 = tpu.memref_slice %arg3[%dma_start3A_97] : memref<11064xf32, #tpu.memory_space<hbm>> -> memref<56xf32, #tpu.memory_space<hbm>>
          %dma_start3A_99 = arith.constant 0 : i32
          %dma_start3A_100 = tpu.memref_slice %arg7[%dma_start3A_99] : memref<624xf32, #tpu.memory_space<vmem>> -> memref<56xf32, #tpu.memory_space<vmem>>
          tpu.enqueue_dma source(%dma_start3A_100 : memref<56xf32, #tpu.memory_space<vmem>>) target(%dma_start3A_98 : memref<56xf32, #tpu.memory_space<hbm>>) target_semaphore(%run_scoped3A : memref<!tpu.dma_semaphore, #tpu.memory_space<semaphore_mem>>)
          %dma_wait3A_101 = arith.constant 0 : i32
          %dma_wait3A_102 = tpu.memref_slice %arg7[%dma_wait3A_101] : memref<624xf32, #tpu.memory_space<vmem>> -> memref<56xf32, #tpu.memory_space<vmem>>
          %dma_wait3A_103 = arith.constant 11008 : i32
          %dma_wait3A_104 = tpu.memref_slice %arg3[%dma_wait3A_103] : memref<11064xf32, #tpu.memory_space<hbm>> -> memref<56xf32, #tpu.memory_space<hbm>>
          %dma_wait3A_105 = arith.constant 11008 : i32
          %dma_wait3A_106 = tpu.memref_slice %arg3[%dma_wait3A_105] : memref<11064xf32, #tpu.memory_space<hbm>> -> memref<56xf32, #tpu.memory_space<hbm>>
          %dma_wait3A_107 = arith.constant 0 : i32
          %dma_wait3A_108 = tpu.memref_slice %arg7[%dma_wait3A_107] : memref<624xf32, #tpu.memory_space<vmem>> -> memref<56xf32, #tpu.memory_space<vmem>>
          tpu.wait_dma2 semaphore(%run_scoped3A : memref<!tpu.dma_semaphore, #tpu.memory_space<semaphore_mem>>) src(%dma_wait3A_108 : memref<56xf32, #tpu.memory_space<vmem>>) dst(%dma_wait3A_106 : memref<56xf32, #tpu.memory_space<hbm>>)
          tpu.yield
        }) : () -> ()
      } else {
      }
      %dma_wait3A = arith.constant 0 : i32
      %dma_wait3A_88 = tpu.memref_slice %arg7[%dma_wait3A] : memref<624xf32, #tpu.memory_space<vmem>> -> memref<624xf32, #tpu.memory_space<vmem>>
      %dma_wait3A_89 = tpu.memref_slice %arg3[%add3A_39] : memref<11064xf32, #tpu.memory_space<hbm>> -> memref<624xf32, #tpu.memory_space<hbm>>
      %dma_wait3A_90 = tpu.memref_slice %arg3[%add3A_39] : memref<11064xf32, #tpu.memory_space<hbm>> -> memref<624xf32, #tpu.memory_space<hbm>>
      %dma_wait3A_91 = arith.constant 0 : i32
      %dma_wait3A_92 = tpu.memref_slice %arg7[%dma_wait3A_91] : memref<624xf32, #tpu.memory_space<vmem>> -> memref<624xf32, #tpu.memory_space<vmem>>
      tpu.wait_dma2 semaphore(%arg9 : memref<!tpu.dma_semaphore, #tpu.memory_space<semaphore_mem>>) src(%dma_wait3A_92 : memref<624xf32, #tpu.memory_space<vmem>>) dst(%dma_wait3A_90 : memref<624xf32, #tpu.memory_space<hbm>>)
    } else {
    }
    return
  }
}

module attributes {stable_mosaic.version = 14 : i64} {
  func.func @_queue_body(%arg0: i32, %arg1: memref<1024x256xf32, #tpu.memory_space<vmem>>, %arg2: memref<1x1024xi32, #tpu.memory_space<vmem>>, %arg3: memref<2048x256xf32, #tpu.memory_space<vmem>>) attributes {dimension_semantics = [#tpu.dimension_semantics<arbitrary>], iteration_bounds = array<i64: 6>, scalar_prefetch = 0 : i64, scratch_operands = 0 : i64, tpu.core_type = #tpu.core_type<tc>, window_params = [{pipeline_mode = #tpu.pipeline_mode<synchronous>, transform_indices = @transform_0, window_bounds = array<i64: 1024, 256>}, {pipeline_mode = #tpu.pipeline_mode<synchronous>, transform_indices = @transform_1, window_bounds = array<i64: 1, 1024>}, {transform_indices = @transform_2, window_bounds = array<i64: 2048, 256>}]} {
    %eq3A = arith.constant 0 : i32
    %eq3A_0 = arith.cmpi eq, %arg0, %eq3A : i32
    %convert_element_type3A = arith.extui %eq3A_0 : i1 to i32
    %cond3A = arith.constant 0 : i32
    %cond3A_1 = arith.cmpi ne, %convert_element_type3A, %cond3A : i32
    scf.if %cond3A_1 {
      %get3A = arith.constant 0 : index
      %get3A_6 = arith.constant 0 : index
      %get3A_7 = vector.load %arg2[%get3A, %get3A_6] : memref<1x1024xi32, #tpu.memory_space<vmem>>, vector<1x1024xi32>
      %transpose3A = tpu.transpose %get3A_7, [1, 0] : vector<1x1024xi32> -> vector<1024x1xi32>
      %eq3A_8 = vector.broadcast %transpose3A : vector<1024x1xi32> to vector<1024x1024xi32>
      %eq3A_9 = vector.broadcast %get3A_7 : vector<1x1024xi32> to vector<1024x1024xi32>
      %eq3A_10 = arith.cmpi eq, %eq3A_8, %eq3A_9 : vector<1024x1024xi32>
      %iota3A = tpu.iota {dimensions = array<i32: 0>} : vector<1024x1024xi32>
      %iota3A_11 = tpu.iota {dimensions = array<i32: 1>} : vector<1024x1024xi32>
      %lt3A = arith.cmpi slt, %iota3A_11, %iota3A : vector<1024x1024xi32>
      %and3A = arith.andi %eq3A_10, %lt3A : vector<1024x1024xi1>
      %reduce_or3A = arith.constant 1.000000e+00 : f32
      %reduce_or3A_12 = arith.constant 0.000000e+00 : f32
      %reduce_or3A_13 = vector.broadcast %reduce_or3A : f32 to vector<1024x1024xf32>
      %reduce_or3A_14 = vector.broadcast %reduce_or3A_12 : f32 to vector<1024x1024xf32>
      %reduce_or3A_15 = arith.select %and3A, %reduce_or3A_13, %reduce_or3A_14 : vector<1024x1024xi1>, vector<1024x1024xf32>
      %reduce_or3A_16 = arith.constant dense<0xFF800000> : vector<1024xf32>
      %reduce_or3A_17 = vector.multi_reduction <maximumf>, %reduce_or3A_15, %reduce_or3A_16 [1] : vector<1024x1024xf32> to vector<1024xf32>
      %reduce_or3A_18 = arith.constant 0.000000e+00 : f32
      %reduce_or3A_19 = vector.broadcast %reduce_or3A_18 : f32 to vector<1024xf32>
      %reduce_or3A_20 = arith.cmpf ogt, %reduce_or3A_17, %reduce_or3A_19 : vector<1024xf32>
      %broadcast_in_dim3A = vector.shape_cast %reduce_or3A_20 : vector<1024xi1> to vector<1024x1xi1>
      %convert_element_type3A_21 = arith.extui %broadcast_in_dim3A : vector<1024x1xi1> to vector<1024x1xi32>
      %sub3A = arith.constant 1 : i32
      %sub3A_22 = vector.broadcast %sub3A : i32 to vector<1024x1xi32>
      %sub3A_23 = arith.subi %sub3A_22, %convert_element_type3A_21 : vector<1024x1xi32>
      %reduce_sum3A = vector.shape_cast %sub3A_23 : vector<1024x1xi32> to vector<1x1024x1xi32>
      %reduce_sum3A_24 = arith.constant dense<0> : vector<1xi32>
      %reduce_sum3A_25 = vector.multi_reduction <add>, %reduce_sum3A, %reduce_sum3A_24 [1, 2] : vector<1x1024x1xi32> to vector<1xi32>
      %reduce_sum3A_26 = vector.shape_cast %reduce_sum3A_25 : vector<1xi32> to vector<1x1x1xi32>
      %reduce_sum3A_27 = vector.extract %reduce_sum3A_26[0, 0, 0] : i32 from vector<1x1x1xi32>
      %iota3A_28 = tpu.iota {dimensions = array<i32: 0>} : vector<1024x1xi32>
      %lt3A_29 = vector.broadcast %reduce_sum3A_27 : i32 to vector<1024x1xi32>
      %lt3A_30 = arith.cmpi slt, %iota3A_28, %lt3A_29 : vector<1024x1xi32>
      %convert_element_type3A_31 = arith.extui %lt3A_30 : vector<1024x1xi1> to vector<1024x1xi32>
      %convert_element_type3A_32 = arith.sitofp %convert_element_type3A_31 : vector<1024x1xi32> to vector<1024x1xf32>
      %get3A_33 = arith.constant 0 : index
      %get3A_34 = arith.constant 0 : index
      %get3A_35 = vector.load %arg1[%get3A_33, %get3A_34] : memref<1024x256xf32, #tpu.memory_space<vmem>>, vector<1024x256xf32>
      %mul3A = vector.broadcast %convert_element_type3A_32 : vector<1024x1xf32> to vector<1024x256xf32>
      %mul3A_36 = arith.mulf %get3A_35, %mul3A : vector<1024x256xf32>
      %swap3A = arith.constant 0 : index
      %swap3A_37 = arith.constant 0 : index
      %swap3A_38 = vector.load %arg3[%swap3A, %swap3A_37] : memref<2048x256xf32, #tpu.memory_space<vmem>>, vector<1024x256xf32>
      tpu.vector_store %arg3[%swap3A, %swap3A_37], %mul3A_36 {strides = array<i32>} : memref<2048x256xf32, #tpu.memory_space<vmem>>, vector<1024x256xf32>,
      %broadcast_in_dim3A_39 = arith.constant 0.000000e+00 : f32
      %broadcast_in_dim3A_40 = vector.broadcast %broadcast_in_dim3A_39 : f32 to vector<1024x256xf32>
      %swap3A_41 = arith.constant 1024 : index
      %swap3A_42 = arith.constant 0 : index
      %swap3A_43 = vector.load %arg3[%swap3A_41, %swap3A_42] : memref<2048x256xf32, #tpu.memory_space<vmem>>, vector<1024x256xf32>
      tpu.vector_store %arg3[%swap3A_41, %swap3A_42], %broadcast_in_dim3A_40 {strides = array<i32>} : memref<2048x256xf32, #tpu.memory_space<vmem>>, vector<1024x256xf32>,
    } else {
    }
    %gt3A = arith.constant 0 : i32
    %gt3A_2 = arith.cmpi sgt, %arg0, %gt3A : i32
    %convert_element_type3A_3 = arith.extui %gt3A_2 : i1 to i32
    %cond3A_4 = arith.constant 0 : i32
    %cond3A_5 = arith.cmpi ne, %convert_element_type3A_3, %cond3A_4 : i32
    scf.if %cond3A_5 {
      %broadcast_in_dim3A = arith.constant 0.000000e+00 : f32
      %broadcast_in_dim3A_6 = vector.broadcast %broadcast_in_dim3A : f32 to vector<2048x256xf32>
      %swap3A = arith.constant 0 : index
      %swap3A_7 = arith.constant 0 : index
      %swap3A_8 = vector.load %arg3[%swap3A, %swap3A_7] : memref<2048x256xf32, #tpu.memory_space<vmem>>, vector<2048x256xf32>
      tpu.vector_store %arg3[%swap3A, %swap3A_7], %broadcast_in_dim3A_6 {strides = array<i32>} : memref<2048x256xf32, #tpu.memory_space<vmem>>, vector<2048x256xf32>,
    } else {
    }
    return
  }
  func.func @transform_0(%arg0: i32) -> (i32, i32) {
    %c0_i32 = arith.constant 0 : i32
    %c0_i32_0 = arith.constant 0 : i32
    %c0_i32_1 = arith.constant 0 : i32
    return %c0_i32, %c0_i32_0 : i32, i32
  }
  func.func @transform_1(%arg0: i32) -> (i32, i32) {
    %c0_i32 = arith.constant 0 : i32
    %c0_i32_0 = arith.constant 0 : i32
    %c0_i32_1 = arith.constant 0 : i32
    return %c0_i32, %c0_i32_0 : i32, i32
  }
  func.func @transform_2(%arg0: i32) -> (i32, i32) {
    %c0_i32 = arith.constant 0 : i32
    %c0_i32_0 = arith.constant 0 : i32
    return %arg0, %c0_i32 : i32, i32
  }
}

</mosaic_0001>

<sc_bundles>
// kernel: kernel.4.cloned.1.call-start
scs
__scs_entry_jumppad:
0x0: {  	(pc) =	sbr.rel $0x88, $3  }
0x1: {  	(tag) =	ssettag $0x0;
	lr =	simm.s32 $0x1  }
0x2: {  	[smem:$0x3F9F] =	sst lr;
	_ =	strace $0xD0000000  }
0x3: {  	_ = 	snop  }
0x4: {  	_ = 	snop  }
0x5: {  	_ = 	snop  }
0x6: {  	_ = 	snop  }
0x7: {  	_ = 	snop  }
__scs_overlays_trampoline_lowered:
0x8: {  	[smem:$0x3FAE] =	sst s0  }
0x9: {  	[smem:$0x3FAF] =	sst s1  }
0xa: {  	[smem:$0x3FB0] =	sst s2  }
0xb: {  	[smem:$0x3FB1] =	sst s3  }
0xc: {  	[smem:$0x3FB2] =	sst s4  }
0xd: {  	[smem:$0x3FB3] =	sst s5  }
0xe: {  	[smem:$0x3FB4] =	sst s6  }
0xf: {  	[smem:$0x3FB5] =	sst s7  }
0x10: {  	[smem:$0x3FB6] =	sst s8  }
0x11: {  	[smem:$0x3FB7] =	sst s9;
	s0 =	simm.s32 @!p0 $0x0  }
0x12: {  	s1 =	sld [smem:$0x3F9D];
	s0 =	simm.s32 @p0 $0x1  }
0x13: {  	[smem:$0x3FB8] =	sst s0;
	s0 =	simm.s32 @!p1 $0x0  }
0x14: {  	s2 =	sld [smem:$0x3F9C];
	s0 =	simm.s32 @p1 $0x1  }
0x15: {  	[smem:$0x3FB9] =	sst s0;
	s0 =	simm.s32 @!p2 $0x0  }
0x16: {  	s3 =	sld [smem:$0x3FDB];
	s0 =	simm.s32 @p2 $0x1  }
0x17: {  	s4 =	simm.s32 $0x1BF5;
	[smem:$0x3FBB] =	sst s0  }
0x18: {  	s0 =	sld [smem:$0x3F9E];
	_ =	swait.ge [sflag:s4], $0x0  }
0x19: {  	s7 =	sld [smem:$0x3F9F]  }
0x1a: {  	s8 =	sadd.s32 $0xFFFFE003, lr  }
0x1b: {  	s9 =	sadd.s32 $0xFFFFFEF7, lr;
	s5 =	simm.s32 $0xFFFFFFFF;
	p2 =	slt.u32 s8, $0xFFFFF086  }
0x1c: {  	p1 =	slt.u32 s9, $0xF7A;
	s5 =	simm.s32 @!p2 $0x0  }
0x1d: {  	s5 =	simm.s32 @p1 $0x1;
	p0 =	seq.s32 s7, s2  }
0x1e: {  	s7 =	smul.u32 @!p0 $0xF7A, s2;
	p2 =	seq.s32 @!p0 s5, $0x0  }
0x1f: {  	s9 =	smul.u32 $0xF7A, s1;
	s8 =	simm.s32 @!p0 $0x1BF5;
	p2 =	por !p2, p0  }
0x20: {  	[sflag:s8] =	ssyncset.s32 @!p0 $0xFFFFF086;
	s6 =	sadd.s32 @!p0 s3, s7;
	s7 =	simm.s32 @!p0 $0x108  }
0x21: {  	s3 =	sadd.s32 s3, s9;
	s6 =	sadd.s32 @!p0 $0x88, s6;
	s7 =	simm.s32 @p2 $0x1082  }
0x22: {  	[simem:s7], [sflag:s8] =	dma.local @!p0 [hbm:s6], $0xF7A  }
0x23: {  	s9 =	sor.u32 $0xD0000000, s2;
	s6 =	simm.s32 $0x108;
	_ =	swait.ge @!p0 [sflag:s8], $0x0  }
0x24: {  	s3 =	sadd.s32 $0x88, s3;
	s6 =	simm.s32 @!p1 $0x1082;
	[sflag:s4] =	ssyncset.s32 $0xFFFFF086  }
0x25: {  	[simem:s6], [sflag:s4] =	dma.local [hbm:s3], $0xF7A  }
0x26: {  	[smem:$0x3F9F] =	sst s1;
	(tag) =	ssettag s2;
	_ =	strace s9  }
0x27: {  	s1 =	sld [smem:$0x3FAF]  }
0x28: {  	s2 =	sld [smem:$0x3FB0]  }
0x29: {  	s4 =	sld [smem:$0x3FB2]  }
0x2a: {  	p0 =	seq.s32 s5, $0x0;
	s5 =	sld [smem:$0x3FB3]  }
0x2b: {  	s6 =	sld [smem:$0x3FB4]  }
0x2c: {  	s7 =	sld [smem:$0x3FB5]  }
0x2d: {  	s3 =	simm.s32 $0x108;
	s8 =	sld [smem:$0x3FB6]  }
0x2e: {  	s3 =	simm.s32 @!p0 $0x1082;
	s9 =	sld [smem:$0x3FB7]  }
0x2f: {  	lr =	sadd.s32 s0, s3;
	s0 =	sld [smem:$0x3FAE]  }
0x30: {  	s3 =	sld [smem:$0x3FB1]  }
0x31: {  	[smem:$0x3FBA] =	sst s10  }
0x32: {  	s10 =	sld [smem:$0x3FB8];
	_ =	sdelay $0x3  }
0x33: {  	p0 =	seq.s32 s10, $0x1;
	s10 =	sld [smem:$0x3FBA];
	_ =	sdelay $0x3  }
0x34: {  	[smem:$0x3FBA] =	sst s10  }
0x35: {  	s10 =	sld [smem:$0x3FB9];
	_ =	sdelay $0x3  }
0x36: {  	p1 =	seq.s32 s10, $0x1;
	s10 =	sld [smem:$0x3FBA];
	_ =	sdelay $0x3  }
0x37: {  	[smem:$0x3FBA] =	sst s10  }
0x38: {  	s10 =	sld [smem:$0x3FBB]  }
0x39: {  	_ = 	snop;
	(pc) =	sbr.ind lr, $3  }
0x3a: {  	_ = 	snop  }
0x3b: {  	_ = 	snop  }
0x3c: {  	p2 =	seq.s32 s10, $0x1;
	s10 =	sld [smem:$0x3FBA]  }
0x3d: {  	_ =	shalt  }
0x3e: {  	_ =	shalt  }
0x3f: {  	_ =	shalt  }
0x40: {  	_ =	shalt  }
0x41: {  	_ =	shalt  }
0x42: {  	_ =	shalt  }
0x43: {  	_ =	shalt  }
0x44: {  	_ =	shalt  }
0x45: {  	_ =	shalt  }
0x46: {  	_ =	shalt  }
0x47: {  	_ =	shalt  }
0x48: {  	_ =	shalt  }
0x49: {  	_ =	shalt  }
0x4a: {  	_ =	shalt  }
0x4b: {  	_ =	shalt  }
0x4c: {  	_ =	shalt  }
0x4d: {  	_ =	shalt  }
0x4e: {  	_ =	shalt  }
0x4f: {  	_ =	shalt  }
0x50: {  	_ =	shalt  }
0x51: {  	_ =	shalt  }
0x52: {  	_ =	shalt  }
0x53: {  	_ =	shalt  }
0x54: {  	_ =	shalt  }
0x55: {  	_ =	shalt  }
0x56: {  	_ =	shalt  }
0x57: {  	_ =	shalt  }
0x58: {  	_ =	shalt  }
0x59: {  	_ =	shalt  }
0x5a: {  	_ =	shalt  }
0x5b: {  	_ =	shalt  }
0x5c: {  	_ =	shalt  }
0x5d: {  	_ =	shalt  }
0x5e: {  	_ =	shalt  }
0x5f: {  	_ =	shalt  }
0x60: {  	_ =	shalt  }
0x61: {  	_ =	shalt  }
0x62: {  	_ =	shalt  }
0x63: {  	_ =	shalt  }
0x64: {  	_ =	shalt  }
0x65: {  	_ =	shalt  }
0x66: {  	_ =	shalt  }
0x67: {  	_ =	shalt  }
0x68: {  	_ =	shalt  }
0x69: {  	_ =	shalt  }
0x6a: {  	_ =	shalt  }
0x6b: {  	_ =	shalt  }
0x6c: {  	_ =	shalt  }
0x6d: {  	_ =	shalt  }
0x6e: {  	_ =	shalt  }
0x6f: {  	_ =	shalt  }
0x70: {  	_ =	shalt  }
0x71: {  	_ =	shalt  }
0x72: {  	_ =	shalt  }
0x73: {  	_ =	shalt  }
0x74: {  	_ =	shalt  }
0x75: {  	_ =	shalt  }
0x76: {  	_ =	shalt  }
0x77: {  	_ =	shalt  }
0x78: {  	_ =	shalt  }
0x79: {  	_ =	shalt  }
0x7a: {  	_ =	shalt  }
0x7b: {  	_ =	shalt  }
0x7c: {  	_ =	shalt  }
0x7d: {  	_ =	shalt  }
0x7e: {  	_ =	shalt  }
0x7f: {  	_ =	shalt  }
0x80: {  	_ =	shalt  }
0x81: {  	_ =	shalt  }
0x82: {  	_ =	shalt  }
0x83: {  	_ =	shalt  }
0x84: {  	_ =	shalt  }
0x85: {  	_ =	shalt  }
0x86: {  	_ =	shalt  }
0x87: {  	_ =	shalt  }
.Lfunc_end0:
.L_simem_size_0:
called_computation_lowered:
.L_overlay_start_0:
0x88: {  	s0 =	sld [smem:$0x3FD9]  }
0x89: {  	s1 =	sld [smem:$0x3FFE];
	_ =	sdelay $0x3  }
0x8a: {  	s0 =	sadd.s32 s1, s0  }
0x8b: {  	[smem:$0x3FC6] =	sst s0  }
0x8c: {  	_ = 	snop  }
0x8d: {  	s0 =	sld [smem:$0x3FD0];
	_ =	sdelay $0x2  }
0x8e: {  	s2 =	simm.s32 $0xA;
	s3 =	simm.s32 $0x10;
	s14 =	sld [smem:$0x3FC8]  }
0x8f: {  	[smem:s3], [sflag:s2] =	dma.local [hbm:s0], $0x1  }
0x90: {  	_ =	swait.eq [sflag:s2], $0x1  }
0x91: {  	[sflag:s2] =	ssyncset.done $0x0  }
0x92: {  	[sflag:s2] =	ssyncadd.s32 $0xFFFFFFFF  }
0x93: {  	s15 =	sld [smem:$0x11];
	(tm) =	ssettm $0x1  }
0x94: {  	s16 =	sld [smem:$0x3FFB];
	_ =	sdelay $0x3  }
0x95: {  	_ =	strace s16  }
0x96: {  	s2 =	sld [smem:$0x3FFC];
	_ =	sdelay $0x3  }
0x97: {  	_ =	strace s2  }
0x98: {  	s2 =	sld [smem:$0x3FFD];
	_ =	sdelay $0x3  }
0x99: {  	_ =	strace s2  }
0x9a: {  	_ =	strace $0x8FFFFFFF  }
0x9b: {  	s17 =	sld [smem:$0x3FDB];
	_ =	sdelay $0x1  }
0x9c: {  	s18 =	simm.s32 $_scs_section_size  }
0x9d: {  	s4 =	simm.s32 $_size__tile_overlayer_lowered;
	s5 =	simm.s32 $_tile_overlayer_lowered  }
0x9e: {  	s21 =	simm.s32 $0x1BFF;
	s20 =	sshll.u32 s5, $0x1;
	s2 =	sadd.s32 s18, s17  }
0x9f: {  	s6 =	simm.s32 $0x0;
	s19 =	sshll.u32 s4, $0x1;
	s4 =	sadd.s32 s20, s2  }
0xa0: {  	[timem:s6], [sflag:s21] =	dma.local [hbm:s4], s19  }
0xa1: {  	_ =	swait.ge [sflag:s21], s19  }
0xa2: {  	s3 =	ssub.s32 $0x0, s19;
	[sflag:s21] =	ssyncset.done $0x0  }
0xa3: {  	[sflag:s21] =	ssyncadd.s32 s3;
	_ =	sdelay $0x1  }
0xa4: {  	s22 =	simm.s32 $0x1B8B  }
0xa5: {  	_ =	swait.ge [sflag:s22], $0x1  }
0xa6: {  	[sflag:s22] =	ssyncset.done $0x0  }
0xa7: {  	s23 =	simm.s32 $0x1B8E;
	[sflag:s22] =	ssyncadd.s32 $0xFFFFFFFF  }
0xa8: {  	s24 =	simm.s32 $execute0_lowered;
	[smem:$0x3FD2] =	sst s23  }
0xa9: {  	s3 =	sshll.u32 s24, $0x1;
	_ =	strace $0x80000046;
	[dreg:$0x1] =	wrdreg $0xFFFFFFFF  }
0xaa: {  	s25 =	simm.s32 $_size_execute0_lowered;
	s2 =	sadd.s32 s2, s3;
	[dreg:$0x0] =	wrdreg $0x0  }
0xab: {  	s3 =	sshll.u32 s25, $0x1;
	[dreg:$0x2] =	wrdreg s2  }
0xac: {  	[dreg:$0x3] =	wrdreg s3  }
0xad: {  	[dreg:$0x4] =	wrdreg $0xC0  }
0xae: {  	_ =	task [dreg:s6], $0x5FFFF  }
0xaf: {  	[dreg:$0x1] =	wrdreg $0xFFFFFFFF  }
0xb0: {  	[dreg:$0x0] =	wrdreg $0x60  }
0xb1: {  	[dreg:$0x2] =	wrdreg s14  }
0xb2: {  	[dreg:$0x3] =	wrdreg s15  }
0xb3: {  	[dreg:$0x4] =	wrdreg $0x9  }
0xb4: {  	_ =	task.clear_ibuf [dreg:s6], $0x5FFFF;
	_ =	strace $0x90000046  }
0xb5: {  	s26 =	simm.s32 $0x9;
	_ =	strace $0x80000048  }
0xb6: {  	_ =	swait.ge [sflag:s26], $0x1  }
0xb7: {  	[sflag:s26] =	ssyncadd.s32 $0xFFFFFFFF  }
0xb8: {  	_ =	strace $0x90000048  }
0xb9: {  	_ =	sfence  }
0xba: {  	s28 =	sld [smem:$0x0];
	_ =	sdelay $0x1  }
0xbb: {  	s29 =	srdreg.scid  }
0xbc: {  	s30 =	sshll.u32 s29, $0xD;
	s31 =	sshrl.u32 s29, $0x2  }
0xbd: {  	s1 =	sand.u32 $0x1, s29;
	s2 =	sand.u32 $0x4000, s30;
	s0 =	sadd.s32 s31, s28  }
0xbe: {  	s1 =	sor.u32 s2, s1;
	s0 =	sshll.u32 s0, $0x11  }
0xbf: {  	s0 =	sor.u32 s0, s1  }
0xc0: {  	s0 =	sadd.s32 $0x8F2B, s0  }
0xc1: {  	[sflag:s0] =	ssyncadd.remote.s32 $0x1  }
0xc2: {  	_ =	sfence.sel $0xFFFF  }
0xc3: {  	[dreg:$0x0] =	wrdreg $0xFFFFFFFF;
	(pc) =	sbr.abs _section_cstart, $3  }
0xc4: {  	[dreg:$0x1] =	wrdreg $0xFFFFFFFF  }
0xc5: {  	_ =	task.clear_ibuf [dreg:s6], $0x2FFFF;
	_ =	strace $0x9FFFFFFF  }
0xc6: {  	(tm) =	ssettm $0x7FFFFFFF  }
0xc7: {  	_ =	shalt  }
tec
execute0_lowered:
.L_overlay_start_1:
0x0: {  	(tag) =	ssettag $0x1  }
0x1: {  	s3 =	rddreg [dreg:$0x0]  }
0x2: {  	s1 =	rddreg [dreg:$0x1];
	s4 =	simm.s32 $0x0  }
0x3: {  	v0 =	vimm.f32 $0.0e+00;
	[smem:$0x7FF] =	sst s4  }
0x4: {  	s0 =	rddreg [dreg:$0x2];
	_ =	strace $0x80000047;
	[tilespmem:$0x1A80] =	vst v0  }
0x5: {  	[tilespmem:$0x1A90] =	vst v0  }
0x6: {  	[tilespmem:$0x1AA0] =	vst v0  }
0x7: {  	[tilespmem:$0x1AB0] =	vst v0  }
0x8: {  	[tilespmem:$0x1AC0] =	vst v0  }
0x9: {  	[tilespmem:$0x1AD0] =	vst v0  }
0xa: {  	[tilespmem:$0x1AE0] =	vst v0  }
0xb: {  	[tilespmem:$0x1AF0] =	vst v0  }
0xc: {  	[tilespmem:$0x1B00] =	vst v0  }
0xd: {  	[tilespmem:$0x1B10] =	vst v0  }
0xe: {  	[tilespmem:$0x1B20] =	vst v0  }
0xf: {  	[tilespmem:$0x1B30] =	vst v0  }
0x10: {  	[tilespmem:$0x1B40] =	vst v0  }
0x11: {  	[tilespmem:$0x1B50] =	vst v0  }
0x12: {  	[tilespmem:$0x1B60] =	vst v0  }
0x13: {  	[tilespmem:$0x1B70] =	vst v0  }
0x14: {  	[tilespmem:$0x1B80] =	vst v0  }
0x15: {  	[tilespmem:$0x1B90] =	vst v0  }
0x16: {  	[tilespmem:$0x1BA0] =	vst v0  }
0x17: {  	[tilespmem:$0x1BB0] =	vst v0  }
0x18: {  	[tilespmem:$0x1BC0] =	vst v0  }
0x19: {  	[tilespmem:$0x1BD0] =	vst v0  }
0x1a: {  	[tilespmem:$0x1BE0] =	vst v0  }
0x1b: {  	[tilespmem:$0x1BF0] =	vst v0  }
0x1c: {  	[tilespmem:$0x1C00] =	vst v0  }
0x1d: {  	[tilespmem:$0x1C10] =	vst v0  }
0x1e: {  	[tilespmem:$0x1C20] =	vst v0  }
0x1f: {  	[tilespmem:$0x1C30] =	vst v0  }
0x20: {  	[tilespmem:$0x1C40] =	vst v0  }
0x21: {  	[tilespmem:$0x1C50] =	vst v0  }
0x22: {  	[tilespmem:$0x1C60] =	vst v0  }
0x23: {  	[tilespmem:$0x1C70] =	vst v0  }
0x24: {  	[tilespmem:$0x1C80] =	vst v0  }
0x25: {  	s2 =	stileid.u32;
	[tilespmem:$0x1C90] =	vst v0  }
0x26: {  	s5 =	smul.u32 $0x270, s2;
	[tilespmem:$0x1CA0] =	vst v0  }
0x27: {  	[tilespmem:$0x1CB0] =	vst v0  }
0x28: {  	[tilespmem:$0x1CC0] =	vst v0;
	s5 =	sshrl.u32 s5, $0x3  }
0x29: {  	[tilespmem:$0x1CD0] =	vst v0;
	s5 =	sadd.s32 s1, s5  }
0x2a: {  	s6 =	simm.s32 $0x1A80;
	[tilespmem:$0x1CE0] =	vst v0;
	s5 =	sadd.s32 $0x80, s5  }
0x2b: {  	[hbm4b:s5+s4] =	stream.linear.scatter [tilespmem:s6], [sflag:$0x1], $0x270, $0x38;
	[tilespmem:$0x1D00] =	vst v63  }
0x2c: {  	s31 =	simm.s32 $0x2  }
0x2d: {  	[tilespmem:s4], [sflag:$0x2] =	stream.linear.gather [hbm4b:s3+s4], $0x400, $0x38;
	[tilespmem:$0x1D00] =	vst v63  }
0x2e: {  	_ =	swait.ge [sflag:s31], $0x400  }
0x2f: {  	[sflag:s31] =	ssyncset.done $0x0  }
0x30: {  	v0 =	vimm.s32 $0x0;
	s3 =	simm.s32 $0x420;
	[sflag:s31] =	ssyncadd.s32 $0xFFFFFC00  }
0x31: {  	[tilespmem:s3+$0xFFFFFFE0] =	vst v0  }
0x32: {  	[tilespmem:s3+$0x10] =	vst v0  }
0x33: {  	s4 =	simm.s32 $0x0;
	[tilespmem:s3+$0x0] =	vst v0  }
.LBB2_1:
0x34: {  	s4 =	sadd.s32 $0x4, s4  }
0x35: {  	[tilespmem:s3+$0xFFFFFFF0] =	vst v0;
	s3 =	sadd.s32 $0x40, s3;
	p0 =	slt.u32 s4, $0x15C  }
.Ltmp0:
0x36: {  	[tilespmem:s3+$0xFFFFFFE0] =	vst v0;
	(pc) =	sbr.rel @p0 .LBB2_1-.Ltmp0, $3  }
0x37: {  	_ =	sdelay $0x1  }
0x38: {  	[tilespmem:s3+$0x10] =	vst v0  }
0x39: {  	[tilespmem:s3+$0x0] =	vst v0  }
0x3a: {  	[tilespmem:s3+$0xFFFFFFF0] =	vst v0;
	v0 =	vimm.f32 $0.0e+00  }
0x3b: {  	[tilespmem:$0x1A00] =	vst v0  }
0x3c: {  	[tilespmem:$0x1A10] =	vst v0  }
0x3d: {  	[tilespmem:$0x1A20] =	vst v0  }
0x3e: {  	s3 =	simm.s32 $0xFFFFFFFC;
	s4 =	simm.s32 $0x20;
	s5 =	simm.s32 $0x400;
	[tilespmem:$0x1A30] =	vst v0;
	v0 =	vimm.s32 $0x1  }
.LBB2_3:
0x3f: {  	v1 =	vld [tilespmem:s4+$0xFFFFFFE0];
	_ =	sdelay $0x7  }
0x40: {  	[tilespmem:v1+s5+$0x0] =	vst.idx.msk $0xffff, v0  }
0x41: {  	v1 =	vld [tilespmem:s4+$0xFFFFFFF0];
	_ =	sdelay $0x7  }
0x42: {  	[tilespmem:v1+s5+$0x0] =	vst.idx.msk $0xffff, v0  }
0x43: {  	v1 =	vld [tilespmem:s4+$0x0];
	_ =	sdelay $0x7  }
0x44: {  	[tilespmem:v1+s5+$0x0] =	vst.idx.msk $0xffff, v0  }
0x45: {  	v1 =	vld [tilespmem:s4+$0x10];
	_ =	sdelay $0x1  }
0x46: {  	s3 =	sadd.s32 $0x4, s3  }
0x47: {  	p0 =	slt.u32 s3, $0x3C  }
.Ltmp1:
0x48: {  	_ = 	snop;
	(pc) =	sbr.rel @p0 .LBB2_3-.Ltmp1, $2  }
0x49: {  	_ =	sdelay $0x2  }
0x4a: {  	s4 =	sadd.s32 $0x40, s4;
	[tilespmem:v1+s5+$0x0] =	vst.idx.msk $0xffff, v0  }
0x4b: {  	s3 =	simm.s32 $0x4B0  }
0x4c: {  	v0 =	vld [tilespmem:s3+$0xFFFFFF50]  }
0x4d: {  	v1 =	vld [tilespmem:s3+$0xFFFFFF60]  }
0x4e: {  	v2 =	vld [tilespmem:s3+$0xFFFFFF70]  }
0x4f: {  	v3 =	vld [tilespmem:s3+$0xFFFFFF80]  }
0x50: {  	v4 =	vld [tilespmem:s3+$0xFFFFFF90]  }
0x51: {  	v5 =	vld [tilespmem:s3+$0xFFFFFFA0]  }
0x52: {  	v6 =	vld [tilespmem:s3+$0xFFFFFFB0]  }
0x53: {  	v7 =	vld [tilespmem:s3+$0xFFFFFFC0]  }
0x54: {  	v8 =	vld [tilespmem:s3+$0xFFFFFFD0]  }
0x55: {  	v9 =	vld [tilespmem:s3+$0xFFFFFFE0]  }
0x56: {  	v10 =	vld [tilespmem:s3+$0xFFFFFFF0]  }
0x57: {  	v11 =	vld [tilespmem:s3+$0x0]  }
0x58: {  	v12 =	vld [tilespmem:s3+$0x10]  }
0x59: {  	v13 =	vld [tilespmem:s3+$0x20]  }
0x5a: {  	v14 =	vld [tilespmem:s3+$0x30]  }
0x5b: {  	v15 =	vld [tilespmem:s3+$0x40];
	v0 =	vadd.s32 v1, v0  }
0x5c: {  	s31 =	simm.s32 $0x610;
	v16 =	vld [tilespmem:s3+$0x50];
	v0 =	vadd.s32 v0, v2  }
0x5d: {  	v56 =	vld [tilespmem:s31+$0xFFFFFF70];
	v0 =	vadd.s32 v3, v0  }
0x5e: {  	v57 =	vld [tilespmem:s31+$0xFFFFFF80];
	v0 =	vadd.s32 v0, v4  }
0x5f: {  	v58 =	vld [tilespmem:s31+$0xFFFFFF90];
	v0 =	vadd.s32 v5, v0  }
0x60: {  	v59 =	vld [tilespmem:s31+$0xFFFFFFA0];
	v0 =	vadd.s32 v0, v6  }
0x61: {  	v60 =	vld [tilespmem:s31+$0xFFFFFFC0];
	v0 =	vadd.s32 v7, v0  }
0x62: {  	v6 =	vld [tilespmem:s31+$0xFFFFFF50];
	v0 =	vadd.s32 v0, v8  }
0x63: {  	v7 =	vld [tilespmem:s31+$0xFFFFFF60];
	v0 =	vadd.s32 v9, v0  }
0x64: {  	v61 =	vld [tilespmem:s31+$0xFFFFFFD0];
	v0 =	vadd.s32 v0, v10  }
0x65: {  	v1 =	vld [tilespmem:s3+$0x60];
	v0 =	vadd.s32 v11, v0  }
0x66: {  	v2 =	vld [tilespmem:s3+$0x70];
	v0 =	vadd.s32 v0, v12  }
0x67: {  	v3 =	vld [tilespmem:s3+$0x80];
	v0 =	vadd.s32 v13, v0  }
0x68: {  	v6 =	vadd.s32 v7, v6;
	v7 =	vld [tilespmem:s31+$0xFFFFFFB0];
	v0 =	vadd.s32 v0, v14  }
0x69: {  	v4 =	vld [tilespmem:s3+$0x90];
	v6 =	vadd.s32 v6, v56;
	v0 =	vadd.s32 v15, v0  }
0x6a: {  	v5 =	vld [tilespmem:s3+$0xA0];
	v6 =	vadd.s32 v57, v6;
	v0 =	vadd.s32 v0, v16  }
0x6b: {  	v62 =	vld [tilespmem:s31+$0xFFFFFFE0];
	v6 =	vadd.s32 v6, v58;
	v0 =	vadd.s32 v1, v0  }
0x6c: {  	v63 =	vld [tilespmem:s31+$0xFFFFFFF0];
	v6 =	vadd.s32 v59, v6;
	v0 =	vadd.s32 v0, v2  }
0x6d: {  	v1 =	vadd.s32 v6, v7;
	v6 =	vld [tilespmem:s31+$0x0];
	v0 =	vadd.s32 v3, v0  }
0x6e: {  	v1 =	vadd.s32 v60, v1;
	v2 =	vld [tilespmem:s31+$0x10];
	v0 =	vadd.s32 v0, v4  }
0x6f: {  	v1 =	vadd.s32 v1, v61;
	v3 =	vld [tilespmem:s31+$0x20];
	v0 =	vadd.s32 v5, v0  }
0x70: {  	v1 =	vadd.s32 v62, v1;
	v4 =	vld [tilespmem:s31+$0x30];
	(xrf0) =	vadd.scan.msk.s32 $0xffff, v0  }
0x71: {  	v1 =	vadd.s32 v1, v63;
	v5 =	vld [tilespmem:s31+$0x40]  }
0x72: {  	v0 =	vadd.s32 v6, v1  }
0x73: {  	v0 =	vadd.s32 v0, v2  }
0x74: {  	v0 =	vadd.s32 v3, v0  }
0x75: {  	v1 =	vadd.s32 v0, v4  }
0x76: {  	v2 =	vadd.s32 v5, v1;
	v5, _, _ =	vpop (xrf0)  }
0x77: {  	(v2sf) =	vpush v5, $0xF;
	_ =	sdelay $0x3  }
0x78: {  	v6 =	vld [tilespmem:s31+$0x50]  }
0x79: {  	v7 =	vld [tilespmem:s31+$0x60]  }
0x7a: {  	v3 =	vld [tilespmem:s31+$0x70]  }
0x7b: {  	v0 =	vld [tilespmem:s31+$0x80]  }
0x7c: {  	v1 =	vld [tilespmem:s31+$0x90]  }
0x7d: {  	s6 =	simm.s32 $0x770;
	v4 =	vadd.s32 v2, v6;
	v2 =	vld [tilespmem:s31+$0xA0]  }
0x7e: {  	s4 =	simm.s32 $0x0;
	v6 =	vadd.s32 v7, v4;
	v4 =	vld [tilespmem:s6+$0xFFFFFF50]  }
0x7f: {  	s5 =	simm.s32 $0x4;
	s7 =	simm.s32 $0xC;
	s3 =	simm.s32 $0x8;
	v5 =	vld [tilespmem:s6+$0xFFFFFF60];
	v3 =	vadd.s32 v6, v3  }
.LBB2_5:
0x80: {  	p0 =	sne.s32 s7, $0x3C;
	v6 =	vld [tilespmem:s6+$0xFFFFFF70];
	v0 =	vadd.s32 v0, v3  }
0x81: {  	v3 =	vld [tilespmem:s6+$0xFFFFFF80];
	v0 =	vadd.s32 v0, v1  }
0x82: {  	v1 =	vld [tilespmem:s6+$0xFFFFFF90];
	v0 =	vadd.s32 v2, v0  }
0x83: {  	s8 =	sshra.s32 s4, $0x2;
	s4 =	smov.u32 s5;
	v2 =	vld [tilespmem:s6+$0xFFFFFFA0];
	(xrf0) =	vadd.scan.msk.s32 $0xffff, v0;
	s9 =	spop (v2sf)  }
0x84: {  	s5 =	smov.u32 s3;
	s3 =	smov.u32 s7;
	v0 =	vadd.s32 v5, v4;
	v4 =	vld [tilespmem:s6+$0xFFFFFFB0];
	[smem:s8] =	sst s9  }
0x85: {  	v0 =	vadd.s32 v0, v6;
	v5 =	vld [tilespmem:s6+$0xFFFFFFC0]  }
0x86: {  	v0 =	vadd.s32 v3, v0;
	v3 =	vld [tilespmem:s6+$0xFFFFFFD0]  }
0x87: {  	v0 =	vadd.s32 v0, v1;
	v1 =	vld [tilespmem:s6+$0xFFFFFFE0]  }
0x88: {  	v0 =	vadd.s32 v2, v0;
	v2 =	vld [tilespmem:s6+$0xFFFFFFF0]  }
0x89: {  	v0 =	vadd.s32 v0, v4;
	v4 =	vld [tilespmem:s6+$0x0];
	v6, _, _ =	vpop (xrf0)  }
0x8a: {  	v0 =	vadd.s32 v5, v0;
	v5 =	vld [tilespmem:s6+$0x10];
	(v2sf) =	vpush v6, $0xF  }
0x8b: {  	v0 =	vadd.s32 v0, v3;
	v3 =	vld [tilespmem:s6+$0x20]  }
0x8c: {  	v0 =	vadd.s32 v1, v0;
	v1 =	vld [tilespmem:s6+$0x30]  }
0x8d: {  	v0 =	vadd.s32 v0, v2;
	v2 =	vld [tilespmem:s6+$0x40]  }
0x8e: {  	v0 =	vadd.s32 v4, v0;
	v4 =	vld [tilespmem:s6+$0x50]  }
0x8f: {  	v0 =	vadd.s32 v0, v5;
	v5 =	vld [tilespmem:s6+$0x60]  }
0x90: {  	v0 =	vadd.s32 v3, v0;
	v3 =	vld [tilespmem:s6+$0x70]  }
.Ltmp2:
0x91: {  	v1 =	vadd.s32 v0, v1;
	v0 =	vld [tilespmem:s6+$0x80];
	(pc) =	sbr.rel @p0 .LBB2_5-.Ltmp2, $4  }
0x92: {  	v2 =	vadd.s32 v2, v1;
	v1 =	vld [tilespmem:s6+$0x90]  }
0x93: {  	v6 =	vadd.s32 v2, v4;
	v2 =	vld [tilespmem:s6+$0xA0];
	s6 =	sadd.s32 $0x160, s6  }
0x94: {  	v4 =	vld [tilespmem:s6+$0xFFFFFF50];
	v6 =	vadd.s32 v5, v6  }
0x95: {  	s7 =	sadd.s32 $0x4, s7;
	v5 =	vld [tilespmem:s6+$0xFFFFFF60];
	v3 =	vadd.s32 v6, v3  }
0x96: {  	v6 =	vld [tilespmem:s6+$0xFFFFFF70]  }
0x97: {  	v7 =	vld [tilespmem:s6+$0xFFFFFF80]  }
0x98: {  	v8 =	vld [tilespmem:s6+$0xFFFFFF90]  }
0x99: {  	v9 =	vld [tilespmem:s6+$0xFFFFFFA0]  }
0x9a: {  	v48 =	vld [tilespmem:s6+$0xFFFFFFB0];
	v4 =	vadd.s32 v5, v4  }
0x9b: {  	v49 =	vld [tilespmem:s6+$0xFFFFFFC0];
	v4 =	vadd.s32 v4, v6  }
0x9c: {  	v50 =	vld [tilespmem:s6+$0xFFFFFFD0];
	v4 =	vadd.s32 v7, v4  }
0x9d: {  	v51 =	vld [tilespmem:s6+$0xFFFFFFE0];
	v4 =	vadd.s32 v4, v8  }
0x9e: {  	v52 =	vld [tilespmem:s6+$0xFFFFFFF0];
	v4 =	vadd.s32 v9, v4  }
0x9f: {  	v53 =	vld [tilespmem:s6+$0x0];
	v4 =	vadd.s32 v4, v48  }
0xa0: {  	v54 =	vld [tilespmem:s6+$0x10];
	v4 =	vadd.s32 v49, v4  }
0xa1: {  	v55 =	vld [tilespmem:s6+$0x20];
	v4 =	vadd.s32 v4, v50  }
0xa2: {  	v56 =	vld [tilespmem:s6+$0x30];
	v4 =	vadd.s32 v51, v4  }
0xa3: {  	v57 =	vld [tilespmem:s6+$0x40];
	v4 =	vadd.s32 v4, v52  }
0xa4: {  	v58 =	vld [tilespmem:s6+$0x50];
	v4 =	vadd.s32 v53, v4  }
0xa5: {  	v59 =	vld [tilespmem:s6+$0x60];
	v4 =	vadd.s32 v4, v54  }
0xa6: {  	v60 =	vld [tilespmem:s6+$0x70];
	v4 =	vadd.s32 v55, v4  }
0xa7: {  	v61 =	vld [tilespmem:s6+$0x80];
	v4 =	vadd.s32 v4, v56  }
0xa8: {  	v62 =	vld [tilespmem:s6+$0x90];
	v4 =	vadd.s32 v57, v4  }
0xa9: {  	v63 =	vld [tilespmem:s6+$0xA0];
	v4 =	vadd.s32 v4, v58  }
0xaa: {  	v0 =	vadd.s32 v0, v3;
	v3 =	vadd.s32 v59, v4  }
0xab: {  	v0 =	vadd.s32 v0, v1;
	v1 =	vadd.s32 v3, v60  }
0xac: {  	v0 =	vadd.s32 v2, v0;
	v1 =	vadd.s32 v61, v1  }
0xad: {  	(xrf0) =	vadd.scan.msk.s32 $0xffff, v0;
	v0 =	vadd.s32 v1, v62  }
0xae: {  	v0 =	vadd.s32 v63, v0  }
0xaf: {  	(xrf0) =	vadd.scan.msk.s32 $0xffff, v0;
	_ =	sdelay $0x4  }
0xb0: {  	v0, _, _ =	vpop (xrf0)  }
0xb1: {  	(v2sf) =	vpush v0, $0xF;
	v0, _, _ =	vpop (xrf0)  }
0xb2: {  	(v2sf) =	vpush v0, $0xF  }
0xb3: {  	vm0 =	vcmask $0x300;
	v0 =	vimm.f32 $1.500000000e+01  }
0xb4: {  	vm14 =	vcmask $0x704;
	v0 =	vsel vm0, $0x0, v0  }
0xb5: {  	vm15 =	vcmask $0xB08;
	v0 =	vsel vm14, $0x3F800000, v0  }
0xb6: {  	vm4 =	vcmask $0xF0C;
	v0 =	vsel vm15, $0x40000000, v0  }
0xb7: {  	vm5 =	vcmask $0x1310;
	v0 =	vsel vm4, $0x40400000, v0  }
0xb8: {  	vm6 =	vcmask $0x1714;
	v0 =	vsel vm5, $0x40800000, v0  }
0xb9: {  	vm7 =	vcmask $0x1B18;
	v0 =	vsel vm6, $0x40A00000, v0  }
0xba: {  	vm8 =	vcmask $0x1F1C;
	v0 =	vsel vm7, $0x40C00000, v0  }
0xbb: {  	vm9 =	vcmask $0x2320;
	v0 =	vsel vm8, $0x40E00000, v0  }
0xbc: {  	vm10 =	vcmask $0x2724;
	v0 =	vsel vm9, $0x41000000, v0  }
0xbd: {  	s4 =	sshra.s32 s4, $0x2;
	s29 =	sshra.s32 s5, $0x2;
	vm11 =	vcmask $0x2B28;
	v0 =	vsel vm10, $0x41100000, v0  }
.Ltmp3:
0xbe: {  	vm12 =	vcmask $0x2F2C;
	s30 =	sshra.s32 s3, $0x2;
	s3 =	sshll.u32 s2, $0x6;
	v0 =	vsel vm11, $0x41200000, v0;
	(pc) =	sbr.rel .LBB2_7-.Ltmp3, $4  }
0xbf: {  	vm13 =	vcmask $0x3330;
	s5 =	simm.s32 $0x0;
	s6 =	simm.s32 $0x410;
	s28 =	spop (v2sf);
	v0 =	vsel vm12, $0x41300000, v0  }
0xc0: {  	s10 =	simm.s32 $0x0;
	[smem:s4] =	sst s28;
	v1 =	vmov s3;
	vm14 =	vcmask $0x3734;
	s7 =	spop (v2sf);
	v0 =	vsel vm13, $0x41400000, v0  }
0xc1: {  	s8 =	simm.s32 $0x0;
	v1 =	vsub.s32 $0x0, v1;
	vm15 =	vcmask $0x3B38;
	[smem:s29] =	sst s7;
	v2 =	vsel vm14, $0x41500000, v0;
	s31 =	spop (v2sf)  }
0xc2: {  	s4 =	sadd.s32 $0x40, s3;
	s7 =	simm.s32 $0x1A00;
	v0 =	vbroadcast v1, $0x0;
	v1 =	vsel vm15, $0x41600000, v2;
	[smem:s30] =	sst s31  }
.LBB2_10:
0xc3: {  	s8 =	sadd.s32 $0x1, s8  }
0xc4: {  	p0 =	sne.s32 s8, $0x10  }
.Ltmp4:
0xc5: {  	_ = 	snop;
	(pc) =	sbr.rel @!p0 .LBB2_11-.Ltmp4, $2  }
0xc6: {  	_ =	sdelay $0x2  }
0xc7: {  	s5 =	sadd.s32 $0x160, s5;
	s6 =	sadd.s32 $0x160, s6;
	s10 =	smov.u32 s9  }
.LBB2_7:
0xc8: {  	s9 =	sld [smem:s8+$0x0];
	_ =	sdelay $0x2  }
0xc9: {  	p0 =	sge.s32 s10, s4;
	s9 =	sadd.s32 s10, s9  }
0xca: {  	p1 =	sle.s32 @!p0 s9, s3  }
0xcb: {  	p0 =	por p0, p1  }
.Ltmp5:
0xcc: {  	_ = 	snop;
	(pc) =	sbr.rel @p0 .LBB2_10-.Ltmp5, $1  }
0xcd: {  	_ =	sdelay $0x3  }
0xce: {  	v2 =	vmov s10;
	s10 =	simm.s32 $0xFFFFFFFE;
	s11 =	smov.u32 s6;
	s12 =	smov.u32 s5  }
.LBB2_9:
0xcf: {  	v3 =	vld [tilespmem:s11+$0xFFFFFFF0];
	_ =	sdelay $0x4  }
0xd0: {  	(xrf0) =	vadd.scan.msk.s32 $0xffff, v3;
	_ =	sdelay $0x4  }
0xd1: {  	v4 =	vadd.s32 v0, v2  }
0xd2: {  	v4 =	vsub.s32 v4, v3;
	v5, _, _ =	vpop (xrf0)  }
0xd3: {  	v4 =	vadd.s32 v5, v4  }
0xd4: {  	vm0 =	vgt.s32 v3, $0x0;
	vm1 =	vlt.u32 v4, $0x40;
	vm2 =	vgt.s32 v4, $0x0  }
0xd5: {  	vm1 =	vmand vm0, vm1;
	v3 =	vnsel vm2, $0x0, v4  }
0xd6: {  	v3 =	vmin.u32 v3, $0x3F  }
0xd7: {  	s13 =	scvt.s32.f32 s12;
	_ =	sdelay $0x1  }
0xd8: {  	v59 =	vadd.f32 s13, v1;
	_ =	sdelay $0x1  }
0xd9: {  	[tilespmem:v3+s7+$0x0] =	vst.idx.msk vm1, v59  }
0xda: {  	v3 =	vld [tilespmem:s11+$0x0];
	_ =	sdelay $0x4  }
0xdb: {  	(xrf0) =	vadd.scan.msk.s32 $0xffff, v3;
	_ =	sdelay $0x1  }
0xdc: {  	v60 =	vmpcnt.ones.xlane vm0;
	_ =	sdelay $0x1  }
0xdd: {  	v2 =	vadd.s32 v2, v60  }
0xde: {  	v4 =	vadd.s32 v0, v2  }
0xdf: {  	v4 =	vsub.s32 v4, v3;
	v61, _, _ =	vpop (xrf0)  }
0xe0: {  	v4 =	vadd.s32 v61, v4  }
0xe1: {  	vm13 =	vgt.s32 v3, $0x0;
	vm14 =	vlt.u32 v4, $0x40;
	vm15 =	vgt.s32 v4, $0x0  }
0xe2: {  	s10 =	sadd.s32 $0x2, s10;
	vm1 =	vmand vm13, vm14;
	v3 =	vnsel vm15, $0x0, v4  }
0xe3: {  	s31 =	sadd.s32 $0x10, s12;
	p0 =	slt.u32 s10, $0x14;
	v3 =	vmin.u32 v3, $0x3F  }
.Ltmp6:
0xe4: {  	s13 =	scvt.s32.f32 s31;
	(pc) =	sbr.rel @p0 .LBB2_9-.Ltmp6, $3  }
0xe5: {  	_ = 	snop  }
0xe6: {  	v62 =	vadd.f32 s13, v1;
	v63 =	vmpcnt.ones.xlane vm13;
	_ =	sdelay $0x1  }
0xe7: {  	s12 =	sadd.s32 $0x20, s12;
	s11 =	sadd.s32 $0x20, s11;
	v2 =	vadd.s32 v2, v63;
	[tilespmem:v3+s7+$0x0] =	vst.idx.msk vm1, v62  }
.Ltmp7:
0xe8: {  	_ = 	snop;
	(pc) =	sbr.rel .LBB2_10-.Ltmp7, $1  }
0xe9: {  	_ =	sdelay $0x3  }
.LBB2_11:
0xea: {  	s3 =	sshll.u32 s2, $0x3;
	s4 =	simm.s32 $0x0  }
0xeb: {  	s5 =	simm.s32 $0x1A00;
	s31 =	simm.s32 $0x2;
	s3 =	sadd.s32 s1, s3  }
0xec: {  	[hbm4b:s3+s4] =	stream.linear.scatter [tilespmem:s5], [sflag:$0x2], $0x40, $0x38;
	[tilespmem:$0x1D00] =	vst v63  }
0xed: {  	_ =	swait.ge [sflag:s31], $0x40  }
0xee: {  	p0 =	sne.s32 s2, $0x0;
	[sflag:s31] =	ssyncset.done $0x0  }
0xef: {  	s2 =	simm.s32 @p0 $0x1;
	[sflag:s31] =	ssyncadd.s32 $0xFFFFFFC0  }
0xf0: {  	_ =	swait.ge @p0 [sflag:s2], $0x270  }
0xf1: {  	[sflag:s2] =	ssyncset.done @p0 $0x0  }
0xf2: {  	[sflag:s2] =	ssyncadd.s32 @p0 $0xFFFFFD90  }
0xf3: {  	_ =	sfence.sel @p0 $0x180000  }
0xf4: {  	[bflag:$0x0] =	sbarrier.arrive @p0 $0xFFFF  }
0xf5: {  	s1 =	sadd.s32 @!p0 $0x560, s1;
	_ =	strace @p0 $0x90000047  }
0xf6: {  	s3 =	simm.s32 @!p0 $0x1A80;
	s2 =	simm.s32 @!p0 $0x0;
	[bflag:$0x2] =	sbarrier.arrive @p0 $0xFFFF  }
0xf7: {  	[hbm4b:s1+s2] =	stream.linear.scatter @!p0 [tilespmem:s3], [sflag:$0x2], $0x38, $0x38;
	[tilespmem:$0x1D00] =	vst v63  }
0xf8: {  	s1 =	simm.s32 @!p0 $0x2  }
0xf9: {  	_ =	swait.ge @!p0 [sflag:s1], $0x38  }
0xfa: {  	[sflag:s1] =	ssyncset.done @!p0 $0x0  }
0xfb: {  	[sflag:s1] =	ssyncadd.s32 @!p0 $0xFFFFFFC8;
	s1 =	simm.s32 @!p0 $0x1  }
0xfc: {  	_ =	swait.ge @!p0 [sflag:s1], $0x270  }
0xfd: {  	[sflag:s1] =	ssyncset.done @!p0 $0x0  }
0xfe: {  	[sflag:s1] =	ssyncadd.s32 @!p0 $0xFFFFFD90  }
0xff: {  	_ =	sfence.sel @!p0 $0x180000  }
0x100: {  	[bflag:$0x0] =	sbarrier.arrive @!p0 $0xFFFF  }
0x101: {  	_ =	strace @!p0 $0x90000047  }
0x102: {  	s0 =	sadd.s32 @!p0 $0x100000, s0;
	[bflag:$0x2] =	sbarrier.arrive @!p0 $0xFFFF  }
0x103: {  	[sflag:s0] =	ssyncadd.tile.s32 @!p0 $0x1;
	_ =	shalt  }
.Lfunc_end2:
_tile_overlayer_lowered:
.L_overlay_start_2:
0x104: {  	(tag) =	ssettag $0x2  }
0x105: {  	s0 =	rddreg [dreg:$0x0];
	s2 =	stileid.u32  }
0x106: {  	s1 =	rddreg [dreg:$0x1];
	p0 =	sne.s32 s2, $0x0  }
0x107: {  	s3 =	rddreg [dreg:$0x2];
	[bflag:$0x3] =	sbarrier.arrive $0xFFFF;
	s2 =	simm.s32 @!p0 $0x1C02  }
0x108: {  	[timem:s3], [sflag:s2] =	dma.local @!p0 [hbm:s0], s1  }
0x109: {  	s0 =	simm.s32 @!p0 $0x2  }
0x10a: {  	_ =	swait.ge @!p0 [sflag:s0], s1  }
0x10b: {  	s1 =	ssub.s32 @!p0 $0x0, s1;
	[sflag:s0] =	ssyncset.done @!p0 $0x0  }
0x10c: {  	[sflag:s0] =	ssyncadd.s32 @!p0 s1  }
0x10d: {  	[bflag:$0x3] =	sbarrier.arrive $0xFFFF  }
0x10e: {  	_ =	shalt  }

</sc_bundles>
